<compile_context>
chip_gen: v7x
topology: tpu7x:2x2x1
jax: 0.10.2.dev20260603
libtpu: 0.0.44.dev20260713+nightly
codegen_flags: <defaults>
</compile_context>

<pallas_src>
import functools

import jax
import jax.numpy as jnp
from jax import lax
from jax.experimental import pallas as pl
from jax.experimental.pallas import tpu as pltpu
from jax.experimental.pallas import tpu_sc as plsc

V = 1000
B = 16384
NC = 2
NS = 16
NW = NC * NS
LANES = 16
COLS_PER_W = B // NW
CHUNK_COLS = 128
N_CHUNKS = COLS_PER_W // CHUNK_COLS
GROUPS = CHUNK_COLS // LANES
ROWS_A = 512
ROWS_B = V - ROWS_A


@functools.partial(
    pl.kernel,
    mesh=plsc.VectorSubcoreMesh(core_axis_name="c", subcore_axis_name="s"),
    out_type=jax.ShapeDtypeStruct((V, B), jnp.float32),
    compiler_params=pltpu.CompilerParams(needs_layout_passes=False),
    scratch_types=[
        pltpu.VMEM((COLS_PER_W,), jnp.int32),
        pltpu.VMEM((ROWS_A, CHUNK_COLS), jnp.float32),
        pltpu.VMEM((ROWS_B, CHUNK_COLS), jnp.float32),
        pltpu.SemaphoreType.DMA,
        pltpu.SemaphoreType.DMA,
        pltpu.SemaphoreType.DMA,
    ],
)
def _onehot_sc_t(idx_hbm, out_hbm, idx_v, buf_a, buf_b, sem_i, sem_a, sem_b):
    wid = lax.axis_index("s") * NC + lax.axis_index("c")
    col_base = wid * COLS_PER_W

    idx_cp = pltpu.async_copy(
        idx_hbm.at[pl.ds(col_base, COLS_PER_W)], idx_v, sem_i
    )

    zeros16 = jnp.zeros((LANES,), jnp.float32)

    def _fill(buf, n_tile_rows):
        def body(t, carry):
            r0 = t * 8
            for dr in range(8):
                for c0 in range(0, CHUNK_COLS, LANES):
                    buf[r0 + dr, pl.ds(c0, LANES)] = zeros16
            return carry

        lax.fori_loop(0, n_tile_rows, body, 0)

    _fill(buf_a, ROWS_A // 8)
    idx_cp.wait()

    ones16 = jnp.full((LANES,), 1.0, jnp.float32)
    lanes16 = lax.iota(jnp.int32, LANES)
    col_ids = [lanes16 + k * LANES for k in range(GROUPS)]

    def load_rows(g):
        return [idx_v[pl.ds(g * CHUNK_COLS + k * LANES, LANES)]
                for k in range(GROUPS)]

    def scatter_a(rows, val):
        for k in range(GROUPS):
            plsc.store_scatter(
                buf_a, [rows[k], col_ids[k]], val, mask=rows[k] < ROWS_A
            )

    def scatter_b(rows, val):
        for k in range(GROUPS):
            plsc.store_scatter(
                buf_b, [rows[k] - ROWS_A, col_ids[k]], val,
                mask=rows[k] >= ROWS_A,
            )

    def dma_a(g):
        return pltpu.async_copy(
            buf_a,
            out_hbm.at[pl.ds(0, ROWS_A),
                       pl.ds(col_base + g * CHUNK_COLS, CHUNK_COLS)],
            sem_a,
        )

    def dma_b(g):
        return pltpu.async_copy(
            buf_b,
            out_hbm.at[pl.ds(ROWS_A, ROWS_B),
                       pl.ds(col_base + g * CHUNK_COLS, CHUNK_COLS)],
            sem_b,
        )

    def wait_a():
        pltpu.make_async_copy(
            buf_a,
            out_hbm.at[pl.ds(0, ROWS_A), pl.ds(col_base, CHUNK_COLS)],
            sem_a,
        ).wait()

    def wait_b():
        pltpu.make_async_copy(
            buf_b,
            out_hbm.at[pl.ds(ROWS_A, ROWS_B), pl.ds(col_base, CHUNK_COLS)],
            sem_b,
        ).wait()

    rows0 = load_rows(0)
    scatter_a(rows0, ones16)
    dma_a(0)
    _fill(buf_b, ROWS_B // 8)
    scatter_b(rows0, ones16)
    dma_b(0)

    def chunk_body(g, carry):
        prows = load_rows(g - 1)
        rows = load_rows(g)
        wait_a()
        scatter_a(prows, zeros16)
        scatter_a(rows, ones16)
        dma_a(g)
        wait_b()
        scatter_b(prows, zeros16)
        scatter_b(rows, ones16)
        dma_b(g)
        return carry

    lax.fori_loop(1, N_CHUNKS, chunk_body, 0)
    wait_a()
    wait_b()


def kernel(indices, row):
    del row
    return _onehot_sc_t(indices).T

# --- scband reference (transcript-rebuilt; emitter-appended) ---
"""Pipeline reference for scband-one-hot-embedding-5909875000115 (READ-ONLY COPY).

The authoritative reference and input builder live on the scoring server;
editing this copy changes nothing except your own understanding.
"""

import jax, jax.numpy as jnp
import numpy as np

NUM_EMBEDDINGS = 1000
BATCH = 16384

def setup_inputs(seed: int = 0) -> dict:
    key = jax.random.key(seed)
    k1, k2 = jax.random.split(key)
    indices = jax.random.randint(k1, (BATCH,), 0, NUM_EMBEDDINGS, dtype=jnp.int64 if jax.config.jax_enable_x64 else jnp.int32).astype(jnp.int32)
    row = jnp.zeros((NUM_EMBEDDINGS,), dtype=jnp.float32)
    return {"indices": indices, "row": row}

def reference(indices, row):
    # Faithful translation of OneHotEmbedding.forward:
    #   self.row.zero_()                       -> row is zeros buffer
    #   embeddings = self.row.repeat(B, 1)     -> broadcast/tile row to [B, V]
    #   embeddings[range(B), indices] = 1      -> scatter-overwrite 1.0 at (i, indices[i])
    B = indices.shape[0]
    embeddings = jnp.tile(row[None, :], (B, 1))
    embeddings = embeddings.at[jnp.arange(B), indices].set(1.0)
    return embeddings

if __name__ == "__main__":
    import jax
    _d = setup_inputs()
    print(jax.jit(kernel)(*tuple(_d.values())))

</pallas_src>

<mosaic_0001>
#map = affine_map<(d0, d1) -> (0)>
#map1 = affine_map<(d0, d1) -> (0, 0)>
module attributes {stable_mosaic.version = 14 : i64} {
  func.func @_onehot_sc_t(%arg0: i32, %arg1: i32, %arg2: memref<16384xi32, #tpu.memory_space<hbm>>, %arg3: memref<1000x16384xf32, #tpu.memory_space<hbm>>, %arg4: memref<512xi32, #tpu.memory_space<vmem>>, %arg5: memref<512x128xf32, #tpu.memory_space<vmem>>, %arg6: memref<488x128xf32, #tpu.memory_space<vmem>>, %arg7: memref<!tpu.dma_semaphore, #tpu.memory_space<semaphore_mem>>, %arg8: memref<!tpu.dma_semaphore, #tpu.memory_space<semaphore_mem>>, %arg9: memref<!tpu.dma_semaphore, #tpu.memory_space<semaphore_mem>>) attributes {dimension_semantics = [#tpu.dimension_semantics<core_parallel>, #tpu.dimension_semantics<subcore_parallel>], iteration_bounds = array<i64: 2, 16>, scalar_prefetch = 0 : i64, scratch_operands = 6 : i64, tpu.core_type = #tpu.core_type<sc_vector_subcore>, window_params = [{transform_indices = #map}, {transform_indices = #map1}]} {
    %mul3A = arith.constant 2 : i32
    %mul3A_0 = arith.muli %arg1, %mul3A : i32
    %add3A = arith.addi %mul3A_0, %arg0 : i32
    %mul3A_1 = arith.constant 512 : i32
    %mul3A_2 = arith.muli %add3A, %mul3A_1 : i32
    %dma_start3A = tpu.memref_slice %arg2[%mul3A_2] : memref<16384xi32, #tpu.memory_space<hbm>> -> memref<512xi32, #tpu.memory_space<hbm>>
    %dma_start3A_3 = tpu.memref_slice %arg2[%mul3A_2] : memref<16384xi32, #tpu.memory_space<hbm>> -> memref<512xi32, #tpu.memory_space<hbm>>
    tpu.enqueue_dma source(%dma_start3A_3 : memref<512xi32, #tpu.memory_space<hbm>>) target(%arg4 : memref<512xi32, #tpu.memory_space<vmem>>) target_semaphore(%arg7 : memref<!tpu.dma_semaphore, #tpu.memory_space<semaphore_mem>>)
    %broadcast_in_dim3A = arith.constant 0.000000e+00 : f32
    %broadcast_in_dim3A_4 = vector.broadcast %broadcast_in_dim3A : f32 to vector<16xf32>
    %scan3A = arith.constant 0 : i32
    %scan3A_5 = arith.constant 0 : i32
    %scan3A_6 = arith.constant 64 : i32
    %scan3A_7 = arith.addi %scan3A_5, %scan3A_6 : i32
    %scan3A_8 = arith.constant 1 : i32
    scf.for %scan3A_153 = %scan3A_5 to %scan3A_7 step %scan3A_8  : i32 {
      %mul3A_154 = arith.constant 8 : i32
      %mul3A_155 = arith.muli %scan3A_153, %mul3A_154 : i32
      %add3A_156 = arith.constant 0 : i32
      %add3A_157 = arith.addi %mul3A_155, %add3A_156 : i32
      %swap3A = arith.index_cast %add3A_157 : i32 to index
      %swap3A_158 = arith.constant 0 : index
      %swap3A_159 = tpu.vector_load %arg5[%swap3A, %swap3A_158] {strides = array<i32>} : memref<512x128xf32, #tpu.memory_space<vmem>>, vector<16xf32>,
      tpu.vector_store %arg5[%swap3A, %swap3A_158], %broadcast_in_dim3A_4 {strides = array<i32>} : memref<512x128xf32, #tpu.memory_space<vmem>>, vector<16xf32>,
      %add3A_160 = arith.constant 0 : i32
      %add3A_161 = arith.addi %mul3A_155, %add3A_160 : i32
      %swap3A_162 = arith.index_cast %add3A_161 : i32 to index
      %swap3A_163 = arith.constant 16 : index
      %swap3A_164 = tpu.vector_load %arg5[%swap3A_162, %swap3A_163] {strides = array<i32>} : memref<512x128xf32, #tpu.memory_space<vmem>>, vector<16xf32>,
      tpu.vector_store %arg5[%swap3A_162, %swap3A_163], %broadcast_in_dim3A_4 {strides = array<i32>} : memref<512x128xf32, #tpu.memory_space<vmem>>, vector<16xf32>,
      %add3A_165 = arith.constant 0 : i32
      %add3A_166 = arith.addi %mul3A_155, %add3A_165 : i32
      %swap3A_167 = arith.index_cast %add3A_166 : i32 to index
      %swap3A_168 = arith.constant 32 : index
      %swap3A_169 = tpu.vector_load %arg5[%swap3A_167, %swap3A_168] {strides = array<i32>} : memref<512x128xf32, #tpu.memory_space<vmem>>, vector<16xf32>,
      tpu.vector_store %arg5[%swap3A_167, %swap3A_168], %broadcast_in_dim3A_4 {strides = array<i32>} : memref<512x128xf32, #tpu.memory_space<vmem>>, vector<16xf32>,
      %add3A_170 = arith.constant 0 : i32
      %add3A_171 = arith.addi %mul3A_155, %add3A_170 : i32
      %swap3A_172 = arith.index_cast %add3A_171 : i32 to index
      %swap3A_173 = arith.constant 48 : index
      %swap3A_174 = tpu.vector_load %arg5[%swap3A_172, %swap3A_173] {strides = array<i32>} : memref<512x128xf32, #tpu.memory_space<vmem>>, vector<16xf32>,
      tpu.vector_store %arg5[%swap3A_172, %swap3A_173], %broadcast_in_dim3A_4 {strides = array<i32>} : memref<512x128xf32, #tpu.memory_space<vmem>>, vector<16xf32>,
      %add3A_175 = arith.constant 0 : i32
      %add3A_176 = arith.addi %mul3A_155, %add3A_175 : i32
      %swap3A_177 = arith.index_cast %add3A_176 : i32 to index
      %swap3A_178 = arith.constant 64 : index
      %swap3A_179 = tpu.vector_load %arg5[%swap3A_177, %swap3A_178] {strides = array<i32>} : memref<512x128xf32, #tpu.memory_space<vmem>>, vector<16xf32>,
      tpu.vector_store %arg5[%swap3A_177, %swap3A_178], %broadcast_in_dim3A_4 {strides = array<i32>} : memref<512x128xf32, #tpu.memory_space<vmem>>, vector<16xf32>,
      %add3A_180 = arith.constant 0 : i32
      %add3A_181 = arith.addi %mul3A_155, %add3A_180 : i32
      %swap3A_182 = arith.index_cast %add3A_181 : i32 to index
      %swap3A_183 = arith.constant 80 : index
      %swap3A_184 = tpu.vector_load %arg5[%swap3A_182, %swap3A_183] {strides = array<i32>} : memref<512x128xf32, #tpu.memory_space<vmem>>, vector<16xf32>,
      tpu.vector_store %arg5[%swap3A_182, %swap3A_183], %broadcast_in_dim3A_4 {strides = array<i32>} : memref<512x128xf32, #tpu.memory_space<vmem>>, vector<16xf32>,
      %add3A_185 = arith.constant 0 : i32
      %add3A_186 = arith.addi %mul3A_155, %add3A_185 : i32
      %swap3A_187 = arith.index_cast %add3A_186 : i32 to index
      %swap3A_188 = arith.constant 96 : index
      %swap3A_189 = tpu.vector_load %arg5[%swap3A_187, %swap3A_188] {strides = array<i32>} : memref<512x128xf32, #tpu.memory_space<vmem>>, vector<16xf32>,
      tpu.vector_store %arg5[%swap3A_187, %swap3A_188], %broadcast_in_dim3A_4 {strides = array<i32>} : memref<512x128xf32, #tpu.memory_space<vmem>>, vector<16xf32>,
      %add3A_190 = arith.constant 0 : i32
      %add3A_191 = arith.addi %mul3A_155, %add3A_190 : i32
      %swap3A_192 = arith.index_cast %add3A_191 : i32 to index
      %swap3A_193 = arith.constant 112 : index
      %swap3A_194 = tpu.vector_load %arg5[%swap3A_192, %swap3A_193] {strides = array<i32>} : memref<512x128xf32, #tpu.memory_space<vmem>>, vector<16xf32>,
      tpu.vector_store %arg5[%swap3A_192, %swap3A_193], %broadcast_in_dim3A_4 {strides = array<i32>} : memref<512x128xf32, #tpu.memory_space<vmem>>, vector<16xf32>,
      %add3A_195 = arith.constant 1 : i32
      %add3A_196 = arith.addi %mul3A_155, %add3A_195 : i32
      %swap3A_197 = arith.index_cast %add3A_196 : i32 to index
      %swap3A_198 = arith.constant 0 : index
      %swap3A_199 = tpu.vector_load %arg5[%swap3A_197, %swap3A_198] {strides = array<i32>} : memref<512x128xf32, #tpu.memory_space<vmem>>, vector<16xf32>,
      tpu.vector_store %arg5[%swap3A_197, %swap3A_198], %broadcast_in_dim3A_4 {strides = array<i32>} : memref<512x128xf32, #tpu.memory_space<vmem>>, vector<16xf32>,
      %add3A_200 = arith.constant 1 : i32
      %add3A_201 = arith.addi %mul3A_155, %add3A_200 : i32
      %swap3A_202 = arith.index_cast %add3A_201 : i32 to index
      %swap3A_203 = arith.constant 16 : index
      %swap3A_204 = tpu.vector_load %arg5[%swap3A_202, %swap3A_203] {strides = array<i32>} : memref<512x128xf32, #tpu.memory_space<vmem>>, vector<16xf32>,
      tpu.vector_store %arg5[%swap3A_202, %swap3A_203], %broadcast_in_dim3A_4 {strides = array<i32>} : memref<512x128xf32, #tpu.memory_space<vmem>>, vector<16xf32>,
      %add3A_205 = arith.constant 1 : i32
      %add3A_206 = arith.addi %mul3A_155, %add3A_205 : i32
      %swap3A_207 = arith.index_cast %add3A_206 : i32 to index
      %swap3A_208 = arith.constant 32 : index
      %swap3A_209 = tpu.vector_load %arg5[%swap3A_207, %swap3A_208] {strides = array<i32>} : memref<512x128xf32, #tpu.memory_space<vmem>>, vector<16xf32>,
      tpu.vector_store %arg5[%swap3A_207, %swap3A_208], %broadcast_in_dim3A_4 {strides = array<i32>} : memref<512x128xf32, #tpu.memory_space<vmem>>, vector<16xf32>,
      %add3A_210 = arith.constant 1 : i32
      %add3A_211 = arith.addi %mul3A_155, %add3A_210 : i32
      %swap3A_212 = arith.index_cast %add3A_211 : i32 to index
      %swap3A_213 = arith.constant 48 : index
      %swap3A_214 = tpu.vector_load %arg5[%swap3A_212, %swap3A_213] {strides = array<i32>} : memref<512x128xf32, #tpu.memory_space<vmem>>, vector<16xf32>,
      tpu.vector_store %arg5[%swap3A_212, %swap3A_213], %broadcast_in_dim3A_4 {strides = array<i32>} : memref<512x128xf32, #tpu.memory_space<vmem>>, vector<16xf32>,
      %add3A_215 = arith.constant 1 : i32
      %add3A_216 = arith.addi %mul3A_155, %add3A_215 : i32
      %swap3A_217 = arith.index_cast %add3A_216 : i32 to index
      %swap3A_218 = arith.constant 64 : index
      %swap3A_219 = tpu.vector_load %arg5[%swap3A_217, %swap3A_218] {strides = array<i32>} : memref<512x128xf32, #tpu.memory_space<vmem>>, vector<16xf32>,
      tpu.vector_store %arg5[%swap3A_217, %swap3A_218], %broadcast_in_dim3A_4 {strides = array<i32>} : memref<512x128xf32, #tpu.memory_space<vmem>>, vector<16xf32>,
      %add3A_220 = arith.constant 1 : i32
      %add3A_221 = arith.addi %mul3A_155, %add3A_220 : i32
      %swap3A_222 = arith.index_cast %add3A_221 : i32 to index
      %swap3A_223 = arith.constant 80 : index
      %swap3A_224 = tpu.vector_load %arg5[%swap3A_222, %swap3A_223] {strides = array<i32>} : memref<512x128xf32, #tpu.memory_space<vmem>>, vector<16xf32>,
      tpu.vector_store %arg5[%swap3A_222, %swap3A_223], %broadcast_in_dim3A_4 {strides = array<i32>} : memref<512x128xf32, #tpu.memory_space<vmem>>, vector<16xf32>,
      %add3A_225 = arith.constant 1 : i32
      %add3A_226 = arith.addi %mul3A_155, %add3A_225 : i32
      %swap3A_227 = arith.index_cast %add3A_226 : i32 to index
      %swap3A_228 = arith.constant 96 : index
      %swap3A_229 = tpu.vector_load %arg5[%swap3A_227, %swap3A_228] {strides = array<i32>} : memref<512x128xf32, #tpu.memory_space<vmem>>, vector<16xf32>,
      tpu.vector_store %arg5[%swap3A_227, %swap3A_228], %broadcast_in_dim3A_4 {strides = array<i32>} : memref<512x128xf32, #tpu.memory_space<vmem>>, vector<16xf32>,
      %add3A_230 = arith.constant 1 : i32
      %add3A_231 = arith.addi %mul3A_155, %add3A_230 : i32
      %swap3A_232 = arith.index_cast %add3A_231 : i32 to index
      %swap3A_233 = arith.constant 112 : index
      %swap3A_234 = tpu.vector_load %arg5[%swap3A_232, %swap3A_233] {strides = array<i32>} : memref<512x128xf32, #tpu.memory_space<vmem>>, vector<16xf32>,
      tpu.vector_store %arg5[%swap3A_232, %swap3A_233], %broadcast_in_dim3A_4 {strides = array<i32>} : memref<512x128xf32, #tpu.memory_space<vmem>>, vector<16xf32>,
      %add3A_235 = arith.constant 2 : i32
      %add3A_236 = arith.addi %mul3A_155, %add3A_235 : i32
      %swap3A_237 = arith.index_cast %add3A_236 : i32 to index
      %swap3A_238 = arith.constant 0 : index
      %swap3A_239 = tpu.vector_load %arg5[%swap3A_237, %swap3A_238] {strides = array<i32>} : memref<512x128xf32, #tpu.memory_space<vmem>>, vector<16xf32>,
      tpu.vector_store %arg5[%swap3A_237, %swap3A_238], %broadcast_in_dim3A_4 {strides = array<i32>} : memref<512x128xf32, #tpu.memory_space<vmem>>, vector<16xf32>,
      %add3A_240 = arith.constant 2 : i32
      %add3A_241 = arith.addi %mul3A_155, %add3A_240 : i32
      %swap3A_242 = arith.index_cast %add3A_241 : i32 to index
      %swap3A_243 = arith.constant 16 : index
      %swap3A_244 = tpu.vector_load %arg5[%swap3A_242, %swap3A_243] {strides = array<i32>} : memref<512x128xf32, #tpu.memory_space<vmem>>, vector<16xf32>,
      tpu.vector_store %arg5[%swap3A_242, %swap3A_243], %broadcast_in_dim3A_4 {strides = array<i32>} : memref<512x128xf32, #tpu.memory_space<vmem>>, vector<16xf32>,
      %add3A_245 = arith.constant 2 : i32
      %add3A_246 = arith.addi %mul3A_155, %add3A_245 : i32
      %swap3A_247 = arith.index_cast %add3A_246 : i32 to index
      %swap3A_248 = arith.constant 32 : index
      %swap3A_249 = tpu.vector_load %arg5[%swap3A_247, %swap3A_248] {strides = array<i32>} : memref<512x128xf32, #tpu.memory_space<vmem>>, vector<16xf32>,
      tpu.vector_store %arg5[%swap3A_247, %swap3A_248], %broadcast_in_dim3A_4 {strides = array<i32>} : memref<512x128xf32, #tpu.memory_space<vmem>>, vector<16xf32>,
      %add3A_250 = arith.constant 2 : i32
      %add3A_251 = arith.addi %mul3A_155, %add3A_250 : i32
      %swap3A_252 = arith.index_cast %add3A_251 : i32 to index
      %swap3A_253 = arith.constant 48 : index
      %swap3A_254 = tpu.vector_load %arg5[%swap3A_252, %swap3A_253] {strides = array<i32>} : memref<512x128xf32, #tpu.memory_space<vmem>>, vector<16xf32>,
      tpu.vector_store %arg5[%swap3A_252, %swap3A_253], %broadcast_in_dim3A_4 {strides = array<i32>} : memref<512x128xf32, #tpu.memory_space<vmem>>, vector<16xf32>,
      %add3A_255 = arith.constant 2 : i32
      %add3A_256 = arith.addi %mul3A_155, %add3A_255 : i32
      %swap3A_257 = arith.index_cast %add3A_256 : i32 to index
      %swap3A_258 = arith.constant 64 : index
      %swap3A_259 = tpu.vector_load %arg5[%swap3A_257, %swap3A_258] {strides = array<i32>} : memref<512x128xf32, #tpu.memory_space<vmem>>, vector<16xf32>,
      tpu.vector_store %arg5[%swap3A_257, %swap3A_258], %broadcast_in_dim3A_4 {strides = array<i32>} : memref<512x128xf32, #tpu.memory_space<vmem>>, vector<16xf32>,
      %add3A_260 = arith.constant 2 : i32
      %add3A_261 = arith.addi %mul3A_155, %add3A_260 : i32
      %swap3A_262 = arith.index_cast %add3A_261 : i32 to index
      %swap3A_263 = arith.constant 80 : index
      %swap3A_264 = tpu.vector_load %arg5[%swap3A_262, %swap3A_263] {strides = array<i32>} : memref<512x128xf32, #tpu.memory_space<vmem>>, vector<16xf32>,
      tpu.vector_store %arg5[%swap3A_262, %swap3A_263], %broadcast_in_dim3A_4 {strides = array<i32>} : memref<512x128xf32, #tpu.memory_space<vmem>>, vector<16xf32>,
      %add3A_265 = arith.constant 2 : i32
      %add3A_266 = arith.addi %mul3A_155, %add3A_265 : i32
      %swap3A_267 = arith.index_cast %add3A_266 : i32 to index
      %swap3A_268 = arith.constant 96 : index
      %swap3A_269 = tpu.vector_load %arg5[%swap3A_267, %swap3A_268] {strides = array<i32>} : memref<512x128xf32, #tpu.memory_space<vmem>>, vector<16xf32>,
      tpu.vector_store %arg5[%swap3A_267, %swap3A_268], %broadcast_in_dim3A_4 {strides = array<i32>} : memref<512x128xf32, #tpu.memory_space<vmem>>, vector<16xf32>,
      %add3A_270 = arith.constant 2 : i32
      %add3A_271 = arith.addi %mul3A_155, %add3A_270 : i32
      %swap3A_272 = arith.index_cast %add3A_271 : i32 to index
      %swap3A_273 = arith.constant 112 : index
      %swap3A_274 = tpu.vector_load %arg5[%swap3A_272, %swap3A_273] {strides = array<i32>} : memref<512x128xf32, #tpu.memory_space<vmem>>, vector<16xf32>,
      tpu.vector_store %arg5[%swap3A_272, %swap3A_273], %broadcast_in_dim3A_4 {strides = array<i32>} : memref<512x128xf32, #tpu.memory_space<vmem>>, vector<16xf32>,
      %add3A_275 = arith.constant 3 : i32
      %add3A_276 = arith.addi %mul3A_155, %add3A_275 : i32
      %swap3A_277 = arith.index_cast %add3A_276 : i32 to index
      %swap3A_278 = arith.constant 0 : index
      %swap3A_279 = tpu.vector_load %arg5[%swap3A_277, %swap3A_278] {strides = array<i32>} : memref<512x128xf32, #tpu.memory_space<vmem>>, vector<16xf32>,
      tpu.vector_store %arg5[%swap3A_277, %swap3A_278], %broadcast_in_dim3A_4 {strides = array<i32>} : memref<512x128xf32, #tpu.memory_space<vmem>>, vector<16xf32>,
      %add3A_280 = arith.constant 3 : i32
      %add3A_281 = arith.addi %mul3A_155, %add3A_280 : i32
      %swap3A_282 = arith.index_cast %add3A_281 : i32 to index
      %swap3A_283 = arith.constant 16 : index
      %swap3A_284 = tpu.vector_load %arg5[%swap3A_282, %swap3A_283] {strides = array<i32>} : memref<512x128xf32, #tpu.memory_space<vmem>>, vector<16xf32>,
      tpu.vector_store %arg5[%swap3A_282, %swap3A_283], %broadcast_in_dim3A_4 {strides = array<i32>} : memref<512x128xf32, #tpu.memory_space<vmem>>, vector<16xf32>,
      %add3A_285 = arith.constant 3 : i32
      %add3A_286 = arith.addi %mul3A_155, %add3A_285 : i32
      %swap3A_287 = arith.index_cast %add3A_286 : i32 to index
      %swap3A_288 = arith.constant 32 : index
      %swap3A_289 = tpu.vector_load %arg5[%swap3A_287, %swap3A_288] {strides = array<i32>} : memref<512x128xf32, #tpu.memory_space<vmem>>, vector<16xf32>,
      tpu.vector_store %arg5[%swap3A_287, %swap3A_288], %broadcast_in_dim3A_4 {strides = array<i32>} : memref<512x128xf32, #tpu.memory_space<vmem>>, vector<16xf32>,
      %add3A_290 = arith.constant 3 : i32
      %add3A_291 = arith.addi %mul3A_155, %add3A_290 : i32
      %swap3A_292 = arith.index_cast %add3A_291 : i32 to index
      %swap3A_293 = arith.constant 48 : index
      %swap3A_294 = tpu.vector_load %arg5[%swap3A_292, %swap3A_293] {strides = array<i32>} : memref<512x128xf32, #tpu.memory_space<vmem>>, vector<16xf32>,
      tpu.vector_store %arg5[%swap3A_292, %swap3A_293], %broadcast_in_dim3A_4 {strides = array<i32>} : memref<512x128xf32, #tpu.memory_space<vmem>>, vector<16xf32>,
      %add3A_295 = arith.constant 3 : i32
      %add3A_296 = arith.addi %mul3A_155, %add3A_295 : i32
      %swap3A_297 = arith.index_cast %add3A_296 : i32 to index
      %swap3A_298 = arith.constant 64 : index
      %swap3A_299 = tpu.vector_load %arg5[%swap3A_297, %swap3A_298] {strides = array<i32>} : memref<512x128xf32, #tpu.memory_space<vmem>>, vector<16xf32>,
      tpu.vector_store %arg5[%swap3A_297, %swap3A_298], %broadcast_in_dim3A_4 {strides = array<i32>} : memref<512x128xf32, #tpu.memory_space<vmem>>, vector<16xf32>,
      %add3A_300 = arith.constant 3 : i32
      %add3A_301 = arith.addi %mul3A_155, %add3A_300 : i32
      %swap3A_302 = arith.index_cast %add3A_301 : i32 to index
      %swap3A_303 = arith.constant 80 : index
      %swap3A_304 = tpu.vector_load %arg5[%swap3A_302, %swap3A_303] {strides = array<i32>} : memref<512x128xf32, #tpu.memory_space<vmem>>, vector<16xf32>,
      tpu.vector_store %arg5[%swap3A_302, %swap3A_303], %broadcast_in_dim3A_4 {strides = array<i32>} : memref<512x128xf32, #tpu.memory_space<vmem>>, vector<16xf32>,
      %add3A_305 = arith.constant 3 : i32
      %add3A_306 = arith.addi %mul3A_155, %add3A_305 : i32
      %swap3A_307 = arith.index_cast %add3A_306 : i32 to index
      %swap3A_308 = arith.constant 96 : index
      %swap3A_309 = tpu.vector_load %arg5[%swap3A_307, %swap3A_308] {strides = array<i32>} : memref<512x128xf32, #tpu.memory_space<vmem>>, vector<16xf32>,
      tpu.vector_store %arg5[%swap3A_307, %swap3A_308], %broadcast_in_dim3A_4 {strides = array<i32>} : memref<512x128xf32, #tpu.memory_space<vmem>>, vector<16xf32>,
      %add3A_310 = arith.constant 3 : i32
      %add3A_311 = arith.addi %mul3A_155, %add3A_310 : i32
      %swap3A_312 = arith.index_cast %add3A_311 : i32 to index
      %swap3A_313 = arith.constant 112 : index
      %swap3A_314 = tpu.vector_load %arg5[%swap3A_312, %swap3A_313] {strides = array<i32>} : memref<512x128xf32, #tpu.memory_space<vmem>>, vector<16xf32>,
      tpu.vector_store %arg5[%swap3A_312, %swap3A_313], %broadcast_in_dim3A_4 {strides = array<i32>} : memref<512x128xf32, #tpu.memory_space<vmem>>, vector<16xf32>,
      %add3A_315 = arith.constant 4 : i32
      %add3A_316 = arith.addi %mul3A_155, %add3A_315 : i32
      %swap3A_317 = arith.index_cast %add3A_316 : i32 to index
      %swap3A_318 = arith.constant 0 : index
      %swap3A_319 = tpu.vector_load %arg5[%swap3A_317, %swap3A_318] {strides = array<i32>} : memref<512x128xf32, #tpu.memory_space<vmem>>, vector<16xf32>,
      tpu.vector_store %arg5[%swap3A_317, %swap3A_318], %broadcast_in_dim3A_4 {strides = array<i32>} : memref<512x128xf32, #tpu.memory_space<vmem>>, vector<16xf32>,
      %add3A_320 = arith.constant 4 : i32
      %add3A_321 = arith.addi %mul3A_155, %add3A_320 : i32
      %swap3A_322 = arith.index_cast %add3A_321 : i32 to index
      %swap3A_323 = arith.constant 16 : index
      %swap3A_324 = tpu.vector_load %arg5[%swap3A_322, %swap3A_323] {strides = array<i32>} : memref<512x128xf32, #tpu.memory_space<vmem>>, vector<16xf32>,
      tpu.vector_store %arg5[%swap3A_322, %swap3A_323], %broadcast_in_dim3A_4 {strides = array<i32>} : memref<512x128xf32, #tpu.memory_space<vmem>>, vector<16xf32>,
      %add3A_325 = arith.constant 4 : i32
      %add3A_326 = arith.addi %mul3A_155, %add3A_325 : i32
      %swap3A_327 = arith.index_cast %add3A_326 : i32 to index
      %swap3A_328 = arith.constant 32 : index
      %swap3A_329 = tpu.vector_load %arg5[%swap3A_327, %swap3A_328] {strides = array<i32>} : memref<512x128xf32, #tpu.memory_space<vmem>>, vector<16xf32>,
      tpu.vector_store %arg5[%swap3A_327, %swap3A_328], %broadcast_in_dim3A_4 {strides = array<i32>} : memref<512x128xf32, #tpu.memory_space<vmem>>, vector<16xf32>,
      %add3A_330 = arith.constant 4 : i32
      %add3A_331 = arith.addi %mul3A_155, %add3A_330 : i32
      %swap3A_332 = arith.index_cast %add3A_331 : i32 to index
      %swap3A_333 = arith.constant 48 : index
      %swap3A_334 = tpu.vector_load %arg5[%swap3A_332, %swap3A_333] {strides = array<i32>} : memref<512x128xf32, #tpu.memory_space<vmem>>, vector<16xf32>,
      tpu.vector_store %arg5[%swap3A_332, %swap3A_333], %broadcast_in_dim3A_4 {strides = array<i32>} : memref<512x128xf32, #tpu.memory_space<vmem>>, vector<16xf32>,
      %add3A_335 = arith.constant 4 : i32
      %add3A_336 = arith.addi %mul3A_155, %add3A_335 : i32
      %swap3A_337 = arith.index_cast %add3A_336 : i32 to index
      %swap3A_338 = arith.constant 64 : index
      %swap3A_339 = tpu.vector_load %arg5[%swap3A_337, %swap3A_338] {strides = array<i32>} : memref<512x128xf32, #tpu.memory_space<vmem>>, vector<16xf32>,
      tpu.vector_store %arg5[%swap3A_337, %swap3A_338], %broadcast_in_dim3A_4 {strides = array<i32>} : memref<512x128xf32, #tpu.memory_space<vmem>>, vector<16xf32>,
      %add3A_340 = arith.constant 4 : i32
      %add3A_341 = arith.addi %mul3A_155, %add3A_340 : i32
      %swap3A_342 = arith.index_cast %add3A_341 : i32 to index
      %swap3A_343 = arith.constant 80 : index
      %swap3A_344 = tpu.vector_load %arg5[%swap3A_342, %swap3A_343] {strides = array<i32>} : memref<512x128xf32, #tpu.memory_space<vmem>>, vector<16xf32>,
      tpu.vector_store %arg5[%swap3A_342, %swap3A_343], %broadcast_in_dim3A_4 {strides = array<i32>} : memref<512x128xf32, #tpu.memory_space<vmem>>, vector<16xf32>,
      %add3A_345 = arith.constant 4 : i32
      %add3A_346 = arith.addi %mul3A_155, %add3A_345 : i32
      %swap3A_347 = arith.index_cast %add3A_346 : i32 to index
      %swap3A_348 = arith.constant 96 : index
      %swap3A_349 = tpu.vector_load %arg5[%swap3A_347, %swap3A_348] {strides = array<i32>} : memref<512x128xf32, #tpu.memory_space<vmem>>, vector<16xf32>,
      tpu.vector_store %arg5[%swap3A_347, %swap3A_348], %broadcast_in_dim3A_4 {strides = array<i32>} : memref<512x128xf32, #tpu.memory_space<vmem>>, vector<16xf32>,
      %add3A_350 = arith.constant 4 : i32
      %add3A_351 = arith.addi %mul3A_155, %add3A_350 : i32
      %swap3A_352 = arith.index_cast %add3A_351 : i32 to index
      %swap3A_353 = arith.constant 112 : index
      %swap3A_354 = tpu.vector_load %arg5[%swap3A_352, %swap3A_353] {strides = array<i32>} : memref<512x128xf32, #tpu.memory_space<vmem>>, vector<16xf32>,
      tpu.vector_store %arg5[%swap3A_352, %swap3A_353], %broadcast_in_dim3A_4 {strides = array<i32>} : memref<512x128xf32, #tpu.memory_space<vmem>>, vector<16xf32>,
      %add3A_355 = arith.constant 5 : i32
      %add3A_356 = arith.addi %mul3A_155, %add3A_355 : i32
      %swap3A_357 = arith.index_cast %add3A_356 : i32 to index
      %swap3A_358 = arith.constant 0 : index
      %swap3A_359 = tpu.vector_load %arg5[%swap3A_357, %swap3A_358] {strides = array<i32>} : memref<512x128xf32, #tpu.memory_space<vmem>>, vector<16xf32>,
      tpu.vector_store %arg5[%swap3A_357, %swap3A_358], %broadcast_in_dim3A_4 {strides = array<i32>} : memref<512x128xf32, #tpu.memory_space<vmem>>, vector<16xf32>,
      %add3A_360 = arith.constant 5 : i32
      %add3A_361 = arith.addi %mul3A_155, %add3A_360 : i32
      %swap3A_362 = arith.index_cast %add3A_361 : i32 to index
      %swap3A_363 = arith.constant 16 : index
      %swap3A_364 = tpu.vector_load %arg5[%swap3A_362, %swap3A_363] {strides = array<i32>} : memref<512x128xf32, #tpu.memory_space<vmem>>, vector<16xf32>,
      tpu.vector_store %arg5[%swap3A_362, %swap3A_363], %broadcast_in_dim3A_4 {strides = array<i32>} : memref<512x128xf32, #tpu.memory_space<vmem>>, vector<16xf32>,
      %add3A_365 = arith.constant 5 : i32
      %add3A_366 = arith.addi %mul3A_155, %add3A_365 : i32
      %swap3A_367 = arith.index_cast %add3A_366 : i32 to index
      %swap3A_368 = arith.constant 32 : index
      %swap3A_369 = tpu.vector_load %arg5[%swap3A_367, %swap3A_368] {strides = array<i32>} : memref<512x128xf32, #tpu.memory_space<vmem>>, vector<16xf32>,
      tpu.vector_store %arg5[%swap3A_367, %swap3A_368], %broadcast_in_dim3A_4 {strides = array<i32>} : memref<512x128xf32, #tpu.memory_space<vmem>>, vector<16xf32>,
      %add3A_370 = arith.constant 5 : i32
      %add3A_371 = arith.addi %mul3A_155, %add3A_370 : i32
      %swap3A_372 = arith.index_cast %add3A_371 : i32 to index
      %swap3A_373 = arith.constant 48 : index
      %swap3A_374 = tpu.vector_load %arg5[%swap3A_372, %swap3A_373] {strides = array<i32>} : memref<512x128xf32, #tpu.memory_space<vmem>>, vector<16xf32>,
      tpu.vector_store %arg5[%swap3A_372, %swap3A_373], %broadcast_in_dim3A_4 {strides = array<i32>} : memref<512x128xf32, #tpu.memory_space<vmem>>, vector<16xf32>,
      %add3A_375 = arith.constant 5 : i32
      %add3A_376 = arith.addi %mul3A_155, %add3A_375 : i32
      %swap3A_377 = arith.index_cast %add3A_376 : i32 to index
      %swap3A_378 = arith.constant 64 : index
      %swap3A_379 = tpu.vector_load %arg5[%swap3A_377, %swap3A_378] {strides = array<i32>} : memref<512x128xf32, #tpu.memory_space<vmem>>, vector<16xf32>,
      tpu.vector_store %arg5[%swap3A_377, %swap3A_378], %broadcast_in_dim3A_4 {strides = array<i32>} : memref<512x128xf32, #tpu.memory_space<vmem>>, vector<16xf32>,
      %add3A_380 = arith.constant 5 : i32
      %add3A_381 = arith.addi %mul3A_155, %add3A_380 : i32
      %swap3A_382 = arith.index_cast %add3A_381 : i32 to index
      %swap3A_383 = arith.constant 80 : index
      %swap3A_384 = tpu.vector_load %arg5[%swap3A_382, %swap3A_383] {strides = array<i32>} : memref<512x128xf32, #tpu.memory_space<vmem>>, vector<16xf32>,
      tpu.vector_store %arg5[%swap3A_382, %swap3A_383], %broadcast_in_dim3A_4 {strides = array<i32>} : memref<512x128xf32, #tpu.memory_space<vmem>>, vector<16xf32>,
      %add3A_385 = arith.constant 5 : i32
      %add3A_386 = arith.addi %mul3A_155, %add3A_385 : i32
      %swap3A_387 = arith.index_cast %add3A_386 : i32 to index
      %swap3A_388 = arith.constant 96 : index
      %swap3A_389 = tpu.vector_load %arg5[%swap3A_387, %swap3A_388] {strides = array<i32>} : memref<512x128xf32, #tpu.memory_space<vmem>>, vector<16xf32>,
      tpu.vector_store %arg5[%swap3A_387, %swap3A_388], %broadcast_in_dim3A_4 {strides = array<i32>} : memref<512x128xf32, #tpu.memory_space<vmem>>, vector<16xf32>,
      %add3A_390 = arith.constant 5 : i32
      %add3A_391 = arith.addi %mul3A_155, %add3A_390 : i32
      %swap3A_392 = arith.index_cast %add3A_391 : i32 to index
      %swap3A_393 = arith.constant 112 : index
      %swap3A_394 = tpu.vector_load %arg5[%swap3A_392, %swap3A_393] {strides = array<i32>} : memref<512x128xf32, #tpu.memory_space<vmem>>, vector<16xf32>,
      tpu.vector_store %arg5[%swap3A_392, %swap3A_393], %broadcast_in_dim3A_4 {strides = array<i32>} : memref<512x128xf32, #tpu.memory_space<vmem>>, vector<16xf32>,
      %add3A_395 = arith.constant 6 : i32
      %add3A_396 = arith.addi %mul3A_155, %add3A_395 : i32
      %swap3A_397 = arith.index_cast %add3A_396 : i32 to index
      %swap3A_398 = arith.constant 0 : index
      %swap3A_399 = tpu.vector_load %arg5[%swap3A_397, %swap3A_398] {strides = array<i32>} : memref<512x128xf32, #tpu.memory_space<vmem>>, vector<16xf32>,
      tpu.vector_store %arg5[%swap3A_397, %swap3A_398], %broadcast_in_dim3A_4 {strides = array<i32>} : memref<512x128xf32, #tpu.memory_space<vmem>>, vector<16xf32>,
      %add3A_400 = arith.constant 6 : i32
      %add3A_401 = arith.addi %mul3A_155, %add3A_400 : i32
      %swap3A_402 = arith.index_cast %add3A_401 : i32 to index
      %swap3A_403 = arith.constant 16 : index
      %swap3A_404 = tpu.vector_load %arg5[%swap3A_402, %swap3A_403] {strides = array<i32>} : memref<512x128xf32, #tpu.memory_space<vmem>>, vector<16xf32>,
      tpu.vector_store %arg5[%swap3A_402, %swap3A_403], %broadcast_in_dim3A_4 {strides = array<i32>} : memref<512x128xf32, #tpu.memory_space<vmem>>, vector<16xf32>,
      %add3A_405 = arith.constant 6 : i32
      %add3A_406 = arith.addi %mul3A_155, %add3A_405 : i32
      %swap3A_407 = arith.index_cast %add3A_406 : i32 to index
      %swap3A_408 = arith.constant 32 : index
      %swap3A_409 = tpu.vector_load %arg5[%swap3A_407, %swap3A_408] {strides = array<i32>} : memref<512x128xf32, #tpu.memory_space<vmem>>, vector<16xf32>,
      tpu.vector_store %arg5[%swap3A_407, %swap3A_408], %broadcast_in_dim3A_4 {strides = array<i32>} : memref<512x128xf32, #tpu.memory_space<vmem>>, vector<16xf32>,
      %add3A_410 = arith.constant 6 : i32
      %add3A_411 = arith.addi %mul3A_155, %add3A_410 : i32
      %swap3A_412 = arith.index_cast %add3A_411 : i32 to index
      %swap3A_413 = arith.constant 48 : index
      %swap3A_414 = tpu.vector_load %arg5[%swap3A_412, %swap3A_413] {strides = array<i32>} : memref<512x128xf32, #tpu.memory_space<vmem>>, vector<16xf32>,
      tpu.vector_store %arg5[%swap3A_412, %swap3A_413], %broadcast_in_dim3A_4 {strides = array<i32>} : memref<512x128xf32, #tpu.memory_space<vmem>>, vector<16xf32>,
      %add3A_415 = arith.constant 6 : i32
      %add3A_416 = arith.addi %mul3A_155, %add3A_415 : i32
      %swap3A_417 = arith.index_cast %add3A_416 : i32 to index
      %swap3A_418 = arith.constant 64 : index
      %swap3A_419 = tpu.vector_load %arg5[%swap3A_417, %swap3A_418] {strides = array<i32>} : memref<512x128xf32, #tpu.memory_space<vmem>>, vector<16xf32>,
      tpu.vector_store %arg5[%swap3A_417, %swap3A_418], %broadcast_in_dim3A_4 {strides = array<i32>} : memref<512x128xf32, #tpu.memory_space<vmem>>, vector<16xf32>,
      %add3A_420 = arith.constant 6 : i32
      %add3A_421 = arith.addi %mul3A_155, %add3A_420 : i32
      %swap3A_422 = arith.index_cast %add3A_421 : i32 to index
      %swap3A_423 = arith.constant 80 : index
      %swap3A_424 = tpu.vector_load %arg5[%swap3A_422, %swap3A_423] {strides = array<i32>} : memref<512x128xf32, #tpu.memory_space<vmem>>, vector<16xf32>,
      tpu.vector_store %arg5[%swap3A_422, %swap3A_423], %broadcast_in_dim3A_4 {strides = array<i32>} : memref<512x128xf32, #tpu.memory_space<vmem>>, vector<16xf32>,
      %add3A_425 = arith.constant 6 : i32
      %add3A_426 = arith.addi %mul3A_155, %add3A_425 : i32
      %swap3A_427 = arith.index_cast %add3A_426 : i32 to index
      %swap3A_428 = arith.constant 96 : index
      %swap3A_429 = tpu.vector_load %arg5[%swap3A_427, %swap3A_428] {strides = array<i32>} : memref<512x128xf32, #tpu.memory_space<vmem>>, vector<16xf32>,
      tpu.vector_store %arg5[%swap3A_427, %swap3A_428], %broadcast_in_dim3A_4 {strides = array<i32>} : memref<512x128xf32, #tpu.memory_space<vmem>>, vector<16xf32>,
      %add3A_430 = arith.constant 6 : i32
      %add3A_431 = arith.addi %mul3A_155, %add3A_430 : i32
      %swap3A_432 = arith.index_cast %add3A_431 : i32 to index
      %swap3A_433 = arith.constant 112 : index
      %swap3A_434 = tpu.vector_load %arg5[%swap3A_432, %swap3A_433] {strides = array<i32>} : memref<512x128xf32, #tpu.memory_space<vmem>>, vector<16xf32>,
      tpu.vector_store %arg5[%swap3A_432, %swap3A_433], %broadcast_in_dim3A_4 {strides = array<i32>} : memref<512x128xf32, #tpu.memory_space<vmem>>, vector<16xf32>,
      %add3A_435 = arith.constant 7 : i32
      %add3A_436 = arith.addi %mul3A_155, %add3A_435 : i32
      %swap3A_437 = arith.index_cast %add3A_436 : i32 to index
      %swap3A_438 = arith.constant 0 : index
      %swap3A_439 = tpu.vector_load %arg5[%swap3A_437, %swap3A_438] {strides = array<i32>} : memref<512x128xf32, #tpu.memory_space<vmem>>, vector<16xf32>,
      tpu.vector_store %arg5[%swap3A_437, %swap3A_438], %broadcast_in_dim3A_4 {strides = array<i32>} : memref<512x128xf32, #tpu.memory_space<vmem>>, vector<16xf32>,
      %add3A_440 = arith.constant 7 : i32
      %add3A_441 = arith.addi %mul3A_155, %add3A_440 : i32
      %swap3A_442 = arith.index_cast %add3A_441 : i32 to index
      %swap3A_443 = arith.constant 16 : index
      %swap3A_444 = tpu.vector_load %arg5[%swap3A_442, %swap3A_443] {strides = array<i32>} : memref<512x128xf32, #tpu.memory_space<vmem>>, vector<16xf32>,
      tpu.vector_store %arg5[%swap3A_442, %swap3A_443], %broadcast_in_dim3A_4 {strides = array<i32>} : memref<512x128xf32, #tpu.memory_space<vmem>>, vector<16xf32>,
      %add3A_445 = arith.constant 7 : i32
      %add3A_446 = arith.addi %mul3A_155, %add3A_445 : i32
      %swap3A_447 = arith.index_cast %add3A_446 : i32 to index
      %swap3A_448 = arith.constant 32 : index
      %swap3A_449 = tpu.vector_load %arg5[%swap3A_447, %swap3A_448] {strides = array<i32>} : memref<512x128xf32, #tpu.memory_space<vmem>>, vector<16xf32>,
      tpu.vector_store %arg5[%swap3A_447, %swap3A_448], %broadcast_in_dim3A_4 {strides = array<i32>} : memref<512x128xf32, #tpu.memory_space<vmem>>, vector<16xf32>,
      %add3A_450 = arith.constant 7 : i32
      %add3A_451 = arith.addi %mul3A_155, %add3A_450 : i32
      %swap3A_452 = arith.index_cast %add3A_451 : i32 to index
      %swap3A_453 = arith.constant 48 : index
      %swap3A_454 = tpu.vector_load %arg5[%swap3A_452, %swap3A_453] {strides = array<i32>} : memref<512x128xf32, #tpu.memory_space<vmem>>, vector<16xf32>,
      tpu.vector_store %arg5[%swap3A_452, %swap3A_453], %broadcast_in_dim3A_4 {strides = array<i32>} : memref<512x128xf32, #tpu.memory_space<vmem>>, vector<16xf32>,
      %add3A_455 = arith.constant 7 : i32
      %add3A_456 = arith.addi %mul3A_155, %add3A_455 : i32
      %swap3A_457 = arith.index_cast %add3A_456 : i32 to index
      %swap3A_458 = arith.constant 64 : index
      %swap3A_459 = tpu.vector_load %arg5[%swap3A_457, %swap3A_458] {strides = array<i32>} : memref<512x128xf32, #tpu.memory_space<vmem>>, vector<16xf32>,
      tpu.vector_store %arg5[%swap3A_457, %swap3A_458], %broadcast_in_dim3A_4 {strides = array<i32>} : memref<512x128xf32, #tpu.memory_space<vmem>>, vector<16xf32>,
      %add3A_460 = arith.constant 7 : i32
      %add3A_461 = arith.addi %mul3A_155, %add3A_460 : i32
      %swap3A_462 = arith.index_cast %add3A_461 : i32 to index
      %swap3A_463 = arith.constant 80 : index
      %swap3A_464 = tpu.vector_load %arg5[%swap3A_462, %swap3A_463] {strides = array<i32>} : memref<512x128xf32, #tpu.memory_space<vmem>>, vector<16xf32>,
      tpu.vector_store %arg5[%swap3A_462, %swap3A_463], %broadcast_in_dim3A_4 {strides = array<i32>} : memref<512x128xf32, #tpu.memory_space<vmem>>, vector<16xf32>,
      %add3A_465 = arith.constant 7 : i32
      %add3A_466 = arith.addi %mul3A_155, %add3A_465 : i32
      %swap3A_467 = arith.index_cast %add3A_466 : i32 to index
      %swap3A_468 = arith.constant 96 : index
      %swap3A_469 = tpu.vector_load %arg5[%swap3A_467, %swap3A_468] {strides = array<i32>} : memref<512x128xf32, #tpu.memory_space<vmem>>, vector<16xf32>,
      tpu.vector_store %arg5[%swap3A_467, %swap3A_468], %broadcast_in_dim3A_4 {strides = array<i32>} : memref<512x128xf32, #tpu.memory_space<vmem>>, vector<16xf32>,
      %add3A_470 = arith.constant 7 : i32
      %add3A_471 = arith.addi %mul3A_155, %add3A_470 : i32
      %swap3A_472 = arith.index_cast %add3A_471 : i32 to index
      %swap3A_473 = arith.constant 112 : index
      %swap3A_474 = tpu.vector_load %arg5[%swap3A_472, %swap3A_473] {strides = array<i32>} : memref<512x128xf32, #tpu.memory_space<vmem>>, vector<16xf32>,
      tpu.vector_store %arg5[%swap3A_472, %swap3A_473], %broadcast_in_dim3A_4 {strides = array<i32>} : memref<512x128xf32, #tpu.memory_space<vmem>>, vector<16xf32>,
    }
    %scan3A_9 = arith.constant 64 : i32
    %dma_wait3A = tpu.memref_slice %arg2[%mul3A_2] : memref<16384xi32, #tpu.memory_space<hbm>> -> memref<512xi32, #tpu.memory_space<hbm>>
    %dma_wait3A_10 = tpu.memref_slice %arg2[%mul3A_2] : memref<16384xi32, #tpu.memory_space<hbm>> -> memref<512xi32, #tpu.memory_space<hbm>>
    tpu.wait_dma2 semaphore(%arg7 : memref<!tpu.dma_semaphore, #tpu.memory_space<semaphore_mem>>) src(%dma_wait3A_10 : memref<512xi32, #tpu.memory_space<hbm>>) dst(%arg4 : memref<512xi32, #tpu.memory_space<vmem>>)
    %broadcast_in_dim3A_11 = arith.constant 1.000000e+00 : f32
    %broadcast_in_dim3A_12 = vector.broadcast %broadcast_in_dim3A_11 : f32 to vector<16xf32>
    %iota3A = tpu.iota {dimensions = array<i32: 0>} : vector<16xi32>
    %add3A_13 = arith.constant 0 : i32
    %add3A_14 = vector.broadcast %add3A_13 : i32 to vector<16xi32>
    %add3A_15 = arith.addi %iota3A, %add3A_14 : vector<16xi32>
    %add3A_16 = arith.constant 16 : i32
    %add3A_17 = vector.broadcast %add3A_16 : i32 to vector<16xi32>
    %add3A_18 = arith.addi %iota3A, %add3A_17 : vector<16xi32>
    %add3A_19 = arith.constant 32 : i32
    %add3A_20 = vector.broadcast %add3A_19 : i32 to vector<16xi32>
    %add3A_21 = arith.addi %iota3A, %add3A_20 : vector<16xi32>
    %add3A_22 = arith.constant 48 : i32
    %add3A_23 = vector.broadcast %add3A_22 : i32 to vector<16xi32>
    %add3A_24 = arith.addi %iota3A, %add3A_23 : vector<16xi32>
    %add3A_25 = arith.constant 64 : i32
    %add3A_26 = vector.broadcast %add3A_25 : i32 to vector<16xi32>
    %add3A_27 = arith.addi %iota3A, %add3A_26 : vector<16xi32>
    %add3A_28 = arith.constant 80 : i32
    %add3A_29 = vector.broadcast %add3A_28 : i32 to vector<16xi32>
    %add3A_30 = arith.addi %iota3A, %add3A_29 : vector<16xi32>
    %add3A_31 = arith.constant 96 : i32
    %add3A_32 = vector.broadcast %add3A_31 : i32 to vector<16xi32>
    %add3A_33 = arith.addi %iota3A, %add3A_32 : vector<16xi32>
    %add3A_34 = arith.constant 112 : i32
    %add3A_35 = vector.broadcast %add3A_34 : i32 to vector<16xi32>
    %add3A_36 = arith.addi %iota3A, %add3A_35 : vector<16xi32>
    %get3A = arith.constant 0 : index
    %get3A_37 = tpu.vector_load %arg4[%get3A] {strides = array<i32>} : memref<512xi32, #tpu.memory_space<vmem>>, vector<16xi32>,
    %get3A_38 = arith.constant 16 : index
    %get3A_39 = tpu.vector_load %arg4[%get3A_38] {strides = array<i32>} : memref<512xi32, #tpu.memory_space<vmem>>, vector<16xi32>,
    %get3A_40 = arith.constant 32 : index
    %get3A_41 = tpu.vector_load %arg4[%get3A_40] {strides = array<i32>} : memref<512xi32, #tpu.memory_space<vmem>>, vector<16xi32>,
    %get3A_42 = arith.constant 48 : index
    %get3A_43 = tpu.vector_load %arg4[%get3A_42] {strides = array<i32>} : memref<512xi32, #tpu.memory_space<vmem>>, vector<16xi32>,
    %get3A_44 = arith.constant 64 : index
    %get3A_45 = tpu.vector_load %arg4[%get3A_44] {strides = array<i32>} : memref<512xi32, #tpu.memory_space<vmem>>, vector<16xi32>,
    %get3A_46 = arith.constant 80 : index
    %get3A_47 = tpu.vector_load %arg4[%get3A_46] {strides = array<i32>} : memref<512xi32, #tpu.memory_space<vmem>>, vector<16xi32>,
    %get3A_48 = arith.constant 96 : index
    %get3A_49 = tpu.vector_load %arg4[%get3A_48] {strides = array<i32>} : memref<512xi32, #tpu.memory_space<vmem>>, vector<16xi32>,
    %get3A_50 = arith.constant 112 : index
    %get3A_51 = tpu.vector_load %arg4[%get3A_50] {strides = array<i32>} : memref<512xi32, #tpu.memory_space<vmem>>, vector<16xi32>,
    %lt3A = arith.constant 512 : i32
    %lt3A_52 = vector.broadcast %lt3A : i32 to vector<16xi32>
    %lt3A_53 = arith.cmpi slt, %get3A_37, %lt3A_52 : vector<16xi32>
    tpu.vector_store_idx %arg5[%get3A_37, %add3A_15], %broadcast_in_dim3A_12 masked %lt3A_53 : memref<512x128xf32, #tpu.memory_space<vmem>>[vector<16xi32>, vector<16xi32>], vector<16xf32>, vector<16xi1>
    %lt3A_54 = arith.constant 512 : i32
    %lt3A_55 = vector.broadcast %lt3A_54 : i32 to vector<16xi32>
    %lt3A_56 = arith.cmpi slt, %get3A_39, %lt3A_55 : vector<16xi32>
    tpu.vector_store_idx %arg5[%get3A_39, %add3A_18], %broadcast_in_dim3A_12 masked %lt3A_56 : memref<512x128xf32, #tpu.memory_space<vmem>>[vector<16xi32>, vector<16xi32>], vector<16xf32>, vector<16xi1>
    %lt3A_57 = arith.constant 512 : i32
    %lt3A_58 = vector.broadcast %lt3A_57 : i32 to vector<16xi32>
    %lt3A_59 = arith.cmpi slt, %get3A_41, %lt3A_58 : vector<16xi32>
    tpu.vector_store_idx %arg5[%get3A_41, %add3A_21], %broadcast_in_dim3A_12 masked %lt3A_59 : memref<512x128xf32, #tpu.memory_space<vmem>>[vector<16xi32>, vector<16xi32>], vector<16xf32>, vector<16xi1>
    %lt3A_60 = arith.constant 512 : i32
    %lt3A_61 = vector.broadcast %lt3A_60 : i32 to vector<16xi32>
    %lt3A_62 = arith.cmpi slt, %get3A_43, %lt3A_61 : vector<16xi32>
    tpu.vector_store_idx %arg5[%get3A_43, %add3A_24], %broadcast_in_dim3A_12 masked %lt3A_62 : memref<512x128xf32, #tpu.memory_space<vmem>>[vector<16xi32>, vector<16xi32>], vector<16xf32>, vector<16xi1>
    %lt3A_63 = arith.constant 512 : i32
    %lt3A_64 = vector.broadcast %lt3A_63 : i32 to vector<16xi32>
    %lt3A_65 = arith.cmpi slt, %get3A_45, %lt3A_64 : vector<16xi32>
    tpu.vector_store_idx %arg5[%get3A_45, %add3A_27], %broadcast_in_dim3A_12 masked %lt3A_65 : memref<512x128xf32, #tpu.memory_space<vmem>>[vector<16xi32>, vector<16xi32>], vector<16xf32>, vector<16xi1>
    %lt3A_66 = arith.constant 512 : i32
    %lt3A_67 = vector.broadcast %lt3A_66 : i32 to vector<16xi32>
    %lt3A_68 = arith.cmpi slt, %get3A_47, %lt3A_67 : vector<16xi32>
    tpu.vector_store_idx %arg5[%get3A_47, %add3A_30], %broadcast_in_dim3A_12 masked %lt3A_68 : memref<512x128xf32, #tpu.memory_space<vmem>>[vector<16xi32>, vector<16xi32>], vector<16xf32>, vector<16xi1>
    %lt3A_69 = arith.constant 512 : i32
    %lt3A_70 = vector.broadcast %lt3A_69 : i32 to vector<16xi32>
    %lt3A_71 = arith.cmpi slt, %get3A_49, %lt3A_70 : vector<16xi32>
    tpu.vector_store_idx %arg5[%get3A_49, %add3A_33], %broadcast_in_dim3A_12 masked %lt3A_71 : memref<512x128xf32, #tpu.memory_space<vmem>>[vector<16xi32>, vector<16xi32>], vector<16xf32>, vector<16xi1>
    %lt3A_72 = arith.constant 512 : i32
    %lt3A_73 = vector.broadcast %lt3A_72 : i32 to vector<16xi32>
    %lt3A_74 = arith.cmpi slt, %get3A_51, %lt3A_73 : vector<16xi32>
    tpu.vector_store_idx %arg5[%get3A_51, %add3A_36], %broadcast_in_dim3A_12 masked %lt3A_74 : memref<512x128xf32, #tpu.memory_space<vmem>>[vector<16xi32>, vector<16xi32>], vector<16xf32>, vector<16xi1>
    %add3A_75 = arith.constant 0 : i32
    %add3A_76 = arith.addi %mul3A_2, %add3A_75 : i32
    %dma_start3A_77 = arith.constant 0 : i32
    %dma_start3A_78 = tpu.memref_slice %arg3[%dma_start3A_77, %add3A_76] : memref<1000x16384xf32, #tpu.memory_space<hbm>> -> memref<512x128xf32, #tpu.memory_space<hbm>>
    %dma_start3A_79 = arith.constant 0 : i32
    %dma_start3A_80 = tpu.memref_slice %arg3[%dma_start3A_79, %add3A_76] : memref<1000x16384xf32, #tpu.memory_space<hbm>> -> memref<512x128xf32, #tpu.memory_space<hbm>>
    tpu.enqueue_dma source(%arg5 : memref<512x128xf32, #tpu.memory_space<vmem>>) target(%dma_start3A_80 : memref<512x128xf32, #tpu.memory_space<hbm>>) target_semaphore(%arg8 : memref<!tpu.dma_semaphore, #tpu.memory_space<semaphore_mem>>)
    %scan3A_81 = arith.constant 0 : i32
    %scan3A_82 = arith.constant 0 : i32
    %scan3A_83 = arith.constant 61 : i32
    %scan3A_84 = arith.addi %scan3A_82, %scan3A_83 : i32
    %scan3A_85 = arith.constant 1 : i32
    scf.for %scan3A_153 = %scan3A_82 to %scan3A_84 step %scan3A_85  : i32 {
      %mul3A_154 = arith.constant 8 : i32
      %mul3A_155 = arith.muli %scan3A_153, %mul3A_154 : i32
      %add3A_156 = arith.constant 0 : i32
      %add3A_157 = arith.addi %mul3A_155, %add3A_156 : i32
      %swap3A = arith.index_cast %add3A_157 : i32 to index
      %swap3A_158 = arith.constant 0 : index
      %swap3A_159 = tpu.vector_load %arg6[%swap3A, %swap3A_158] {strides = array<i32>} : memref<488x128xf32, #tpu.memory_space<vmem>>, vector<16xf32>,
      tpu.vector_store %arg6[%swap3A, %swap3A_158], %broadcast_in_dim3A_4 {strides = array<i32>} : memref<488x128xf32, #tpu.memory_space<vmem>>, vector<16xf32>,
      %add3A_160 = arith.constant 0 : i32
      %add3A_161 = arith.addi %mul3A_155, %add3A_160 : i32
      %swap3A_162 = arith.index_cast %add3A_161 : i32 to index
      %swap3A_163 = arith.constant 16 : index
      %swap3A_164 = tpu.vector_load %arg6[%swap3A_162, %swap3A_163] {strides = array<i32>} : memref<488x128xf32, #tpu.memory_space<vmem>>, vector<16xf32>,
      tpu.vector_store %arg6[%swap3A_162, %swap3A_163], %broadcast_in_dim3A_4 {strides = array<i32>} : memref<488x128xf32, #tpu.memory_space<vmem>>, vector<16xf32>,
      %add3A_165 = arith.constant 0 : i32
      %add3A_166 = arith.addi %mul3A_155, %add3A_165 : i32
      %swap3A_167 = arith.index_cast %add3A_166 : i32 to index
      %swap3A_168 = arith.constant 32 : index
      %swap3A_169 = tpu.vector_load %arg6[%swap3A_167, %swap3A_168] {strides = array<i32>} : memref<488x128xf32, #tpu.memory_space<vmem>>, vector<16xf32>,
      tpu.vector_store %arg6[%swap3A_167, %swap3A_168], %broadcast_in_dim3A_4 {strides = array<i32>} : memref<488x128xf32, #tpu.memory_space<vmem>>, vector<16xf32>,
      %add3A_170 = arith.constant 0 : i32
      %add3A_171 = arith.addi %mul3A_155, %add3A_170 : i32
      %swap3A_172 = arith.index_cast %add3A_171 : i32 to index
      %swap3A_173 = arith.constant 48 : index
      %swap3A_174 = tpu.vector_load %arg6[%swap3A_172, %swap3A_173] {strides = array<i32>} : memref<488x128xf32, #tpu.memory_space<vmem>>, vector<16xf32>,
      tpu.vector_store %arg6[%swap3A_172, %swap3A_173], %broadcast_in_dim3A_4 {strides = array<i32>} : memref<488x128xf32, #tpu.memory_space<vmem>>, vector<16xf32>,
      %add3A_175 = arith.constant 0 : i32
      %add3A_176 = arith.addi %mul3A_155, %add3A_175 : i32
      %swap3A_177 = arith.index_cast %add3A_176 : i32 to index
      %swap3A_178 = arith.constant 64 : index
      %swap3A_179 = tpu.vector_load %arg6[%swap3A_177, %swap3A_178] {strides = array<i32>} : memref<488x128xf32, #tpu.memory_space<vmem>>, vector<16xf32>,
      tpu.vector_store %arg6[%swap3A_177, %swap3A_178], %broadcast_in_dim3A_4 {strides = array<i32>} : memref<488x128xf32, #tpu.memory_space<vmem>>, vector<16xf32>,
      %add3A_180 = arith.constant 0 : i32
      %add3A_181 = arith.addi %mul3A_155, %add3A_180 : i32
      %swap3A_182 = arith.index_cast %add3A_181 : i32 to index
      %swap3A_183 = arith.constant 80 : index
      %swap3A_184 = tpu.vector_load %arg6[%swap3A_182, %swap3A_183] {strides = array<i32>} : memref<488x128xf32, #tpu.memory_space<vmem>>, vector<16xf32>,
      tpu.vector_store %arg6[%swap3A_182, %swap3A_183], %broadcast_in_dim3A_4 {strides = array<i32>} : memref<488x128xf32, #tpu.memory_space<vmem>>, vector<16xf32>,
      %add3A_185 = arith.constant 0 : i32
      %add3A_186 = arith.addi %mul3A_155, %add3A_185 : i32
      %swap3A_187 = arith.index_cast %add3A_186 : i32 to index
      %swap3A_188 = arith.constant 96 : index
      %swap3A_189 = tpu.vector_load %arg6[%swap3A_187, %swap3A_188] {strides = array<i32>} : memref<488x128xf32, #tpu.memory_space<vmem>>, vector<16xf32>,
      tpu.vector_store %arg6[%swap3A_187, %swap3A_188], %broadcast_in_dim3A_4 {strides = array<i32>} : memref<488x128xf32, #tpu.memory_space<vmem>>, vector<16xf32>,
      %add3A_190 = arith.constant 0 : i32
      %add3A_191 = arith.addi %mul3A_155, %add3A_190 : i32
      %swap3A_192 = arith.index_cast %add3A_191 : i32 to index
      %swap3A_193 = arith.constant 112 : index
      %swap3A_194 = tpu.vector_load %arg6[%swap3A_192, %swap3A_193] {strides = array<i32>} : memref<488x128xf32, #tpu.memory_space<vmem>>, vector<16xf32>,
      tpu.vector_store %arg6[%swap3A_192, %swap3A_193], %broadcast_in_dim3A_4 {strides = array<i32>} : memref<488x128xf32, #tpu.memory_space<vmem>>, vector<16xf32>,
      %add3A_195 = arith.constant 1 : i32
      %add3A_196 = arith.addi %mul3A_155, %add3A_195 : i32
      %swap3A_197 = arith.index_cast %add3A_196 : i32 to index
      %swap3A_198 = arith.constant 0 : index
      %swap3A_199 = tpu.vector_load %arg6[%swap3A_197, %swap3A_198] {strides = array<i32>} : memref<488x128xf32, #tpu.memory_space<vmem>>, vector<16xf32>,
      tpu.vector_store %arg6[%swap3A_197, %swap3A_198], %broadcast_in_dim3A_4 {strides = array<i32>} : memref<488x128xf32, #tpu.memory_space<vmem>>, vector<16xf32>,
      %add3A_200 = arith.constant 1 : i32
      %add3A_201 = arith.addi %mul3A_155, %add3A_200 : i32
      %swap3A_202 = arith.index_cast %add3A_201 : i32 to index
      %swap3A_203 = arith.constant 16 : index
      %swap3A_204 = tpu.vector_load %arg6[%swap3A_202, %swap3A_203] {strides = array<i32>} : memref<488x128xf32, #tpu.memory_space<vmem>>, vector<16xf32>,
      tpu.vector_store %arg6[%swap3A_202, %swap3A_203], %broadcast_in_dim3A_4 {strides = array<i32>} : memref<488x128xf32, #tpu.memory_space<vmem>>, vector<16xf32>,
      %add3A_205 = arith.constant 1 : i32
      %add3A_206 = arith.addi %mul3A_155, %add3A_205 : i32
      %swap3A_207 = arith.index_cast %add3A_206 : i32 to index
      %swap3A_208 = arith.constant 32 : index
      %swap3A_209 = tpu.vector_load %arg6[%swap3A_207, %swap3A_208] {strides = array<i32>} : memref<488x128xf32, #tpu.memory_space<vmem>>, vector<16xf32>,
      tpu.vector_store %arg6[%swap3A_207, %swap3A_208], %broadcast_in_dim3A_4 {strides = array<i32>} : memref<488x128xf32, #tpu.memory_space<vmem>>, vector<16xf32>,
      %add3A_210 = arith.constant 1 : i32
      %add3A_211 = arith.addi %mul3A_155, %add3A_210 : i32
      %swap3A_212 = arith.index_cast %add3A_211 : i32 to index
      %swap3A_213 = arith.constant 48 : index
      %swap3A_214 = tpu.vector_load %arg6[%swap3A_212, %swap3A_213] {strides = array<i32>} : memref<488x128xf32, #tpu.memory_space<vmem>>, vector<16xf32>,
      tpu.vector_store %arg6[%swap3A_212, %swap3A_213], %broadcast_in_dim3A_4 {strides = array<i32>} : memref<488x128xf32, #tpu.memory_space<vmem>>, vector<16xf32>,
      %add3A_215 = arith.constant 1 : i32
      %add3A_216 = arith.addi %mul3A_155, %add3A_215 : i32
      %swap3A_217 = arith.index_cast %add3A_216 : i32 to index
      %swap3A_218 = arith.constant 64 : index
      %swap3A_219 = tpu.vector_load %arg6[%swap3A_217, %swap3A_218] {strides = array<i32>} : memref<488x128xf32, #tpu.memory_space<vmem>>, vector<16xf32>,
      tpu.vector_store %arg6[%swap3A_217, %swap3A_218], %broadcast_in_dim3A_4 {strides = array<i32>} : memref<488x128xf32, #tpu.memory_space<vmem>>, vector<16xf32>,
      %add3A_220 = arith.constant 1 : i32
      %add3A_221 = arith.addi %mul3A_155, %add3A_220 : i32
      %swap3A_222 = arith.index_cast %add3A_221 : i32 to index
      %swap3A_223 = arith.constant 80 : index
      %swap3A_224 = tpu.vector_load %arg6[%swap3A_222, %swap3A_223] {strides = array<i32>} : memref<488x128xf32, #tpu.memory_space<vmem>>, vector<16xf32>,
      tpu.vector_store %arg6[%swap3A_222, %swap3A_223], %broadcast_in_dim3A_4 {strides = array<i32>} : memref<488x128xf32, #tpu.memory_space<vmem>>, vector<16xf32>,
      %add3A_225 = arith.constant 1 : i32
      %add3A_226 = arith.addi %mul3A_155, %add3A_225 : i32
      %swap3A_227 = arith.index_cast %add3A_226 : i32 to index
      %swap3A_228 = arith.constant 96 : index
      %swap3A_229 = tpu.vector_load %arg6[%swap3A_227, %swap3A_228] {strides = array<i32>} : memref<488x128xf32, #tpu.memory_space<vmem>>, vector<16xf32>,
      tpu.vector_store %arg6[%swap3A_227, %swap3A_228], %broadcast_in_dim3A_4 {strides = array<i32>} : memref<488x128xf32, #tpu.memory_space<vmem>>, vector<16xf32>,
      %add3A_230 = arith.constant 1 : i32
      %add3A_231 = arith.addi %mul3A_155, %add3A_230 : i32
      %swap3A_232 = arith.index_cast %add3A_231 : i32 to index
      %swap3A_233 = arith.constant 112 : index
      %swap3A_234 = tpu.vector_load %arg6[%swap3A_232, %swap3A_233] {strides = array<i32>} : memref<488x128xf32, #tpu.memory_space<vmem>>, vector<16xf32>,
      tpu.vector_store %arg6[%swap3A_232, %swap3A_233], %broadcast_in_dim3A_4 {strides = array<i32>} : memref<488x128xf32, #tpu.memory_space<vmem>>, vector<16xf32>,
      %add3A_235 = arith.constant 2 : i32
      %add3A_236 = arith.addi %mul3A_155, %add3A_235 : i32
      %swap3A_237 = arith.index_cast %add3A_236 : i32 to index
      %swap3A_238 = arith.constant 0 : index
      %swap3A_239 = tpu.vector_load %arg6[%swap3A_237, %swap3A_238] {strides = array<i32>} : memref<488x128xf32, #tpu.memory_space<vmem>>, vector<16xf32>,
      tpu.vector_store %arg6[%swap3A_237, %swap3A_238], %broadcast_in_dim3A_4 {strides = array<i32>} : memref<488x128xf32, #tpu.memory_space<vmem>>, vector<16xf32>,
      %add3A_240 = arith.constant 2 : i32
      %add3A_241 = arith.addi %mul3A_155, %add3A_240 : i32
      %swap3A_242 = arith.index_cast %add3A_241 : i32 to index
      %swap3A_243 = arith.constant 16 : index
      %swap3A_244 = tpu.vector_load %arg6[%swap3A_242, %swap3A_243] {strides = array<i32>} : memref<488x128xf32, #tpu.memory_space<vmem>>, vector<16xf32>,
      tpu.vector_store %arg6[%swap3A_242, %swap3A_243], %broadcast_in_dim3A_4 {strides = array<i32>} : memref<488x128xf32, #tpu.memory_space<vmem>>, vector<16xf32>,
      %add3A_245 = arith.constant 2 : i32
      %add3A_246 = arith.addi %mul3A_155, %add3A_245 : i32
      %swap3A_247 = arith.index_cast %add3A_246 : i32 to index
      %swap3A_248 = arith.constant 32 : index
      %swap3A_249 = tpu.vector_load %arg6[%swap3A_247, %swap3A_248] {strides = array<i32>} : memref<488x128xf32, #tpu.memory_space<vmem>>, vector<16xf32>,
      tpu.vector_store %arg6[%swap3A_247, %swap3A_248], %broadcast_in_dim3A_4 {strides = array<i32>} : memref<488x128xf32, #tpu.memory_space<vmem>>, vector<16xf32>,
      %add3A_250 = arith.constant 2 : i32
      %add3A_251 = arith.addi %mul3A_155, %add3A_250 : i32
      %swap3A_252 = arith.index_cast %add3A_251 : i32 to index
      %swap3A_253 = arith.constant 48 : index
      %swap3A_254 = tpu.vector_load %arg6[%swap3A_252, %swap3A_253] {strides = array<i32>} : memref<488x128xf32, #tpu.memory_space<vmem>>, vector<16xf32>,
      tpu.vector_store %arg6[%swap3A_252, %swap3A_253], %broadcast_in_dim3A_4 {strides = array<i32>} : memref<488x128xf32, #tpu.memory_space<vmem>>, vector<16xf32>,
      %add3A_255 = arith.constant 2 : i32
      %add3A_256 = arith.addi %mul3A_155, %add3A_255 : i32
      %swap3A_257 = arith.index_cast %add3A_256 : i32 to index
      %swap3A_258 = arith.constant 64 : index
      %swap3A_259 = tpu.vector_load %arg6[%swap3A_257, %swap3A_258] {strides = array<i32>} : memref<488x128xf32, #tpu.memory_space<vmem>>, vector<16xf32>,
      tpu.vector_store %arg6[%swap3A_257, %swap3A_258], %broadcast_in_dim3A_4 {strides = array<i32>} : memref<488x128xf32, #tpu.memory_space<vmem>>, vector<16xf32>,
      %add3A_260 = arith.constant 2 : i32
      %add3A_261 = arith.addi %mul3A_155, %add3A_260 : i32
      %swap3A_262 = arith.index_cast %add3A_261 : i32 to index
      %swap3A_263 = arith.constant 80 : index
      %swap3A_264 = tpu.vector_load %arg6[%swap3A_262, %swap3A_263] {strides = array<i32>} : memref<488x128xf32, #tpu.memory_space<vmem>>, vector<16xf32>,
      tpu.vector_store %arg6[%swap3A_262, %swap3A_263], %broadcast_in_dim3A_4 {strides = array<i32>} : memref<488x128xf32, #tpu.memory_space<vmem>>, vector<16xf32>,
      %add3A_265 = arith.constant 2 : i32
      %add3A_266 = arith.addi %mul3A_155, %add3A_265 : i32
      %swap3A_267 = arith.index_cast %add3A_266 : i32 to index
      %swap3A_268 = arith.constant 96 : index
      %swap3A_269 = tpu.vector_load %arg6[%swap3A_267, %swap3A_268] {strides = array<i32>} : memref<488x128xf32, #tpu.memory_space<vmem>>, vector<16xf32>,
      tpu.vector_store %arg6[%swap3A_267, %swap3A_268], %broadcast_in_dim3A_4 {strides = array<i32>} : memref<488x128xf32, #tpu.memory_space<vmem>>, vector<16xf32>,
      %add3A_270 = arith.constant 2 : i32
      %add3A_271 = arith.addi %mul3A_155, %add3A_270 : i32
      %swap3A_272 = arith.index_cast %add3A_271 : i32 to index
      %swap3A_273 = arith.constant 112 : index
      %swap3A_274 = tpu.vector_load %arg6[%swap3A_272, %swap3A_273] {strides = array<i32>} : memref<488x128xf32, #tpu.memory_space<vmem>>, vector<16xf32>,
      tpu.vector_store %arg6[%swap3A_272, %swap3A_273], %broadcast_in_dim3A_4 {strides = array<i32>} : memref<488x128xf32, #tpu.memory_space<vmem>>, vector<16xf32>,
      %add3A_275 = arith.constant 3 : i32
      %add3A_276 = arith.addi %mul3A_155, %add3A_275 : i32
      %swap3A_277 = arith.index_cast %add3A_276 : i32 to index
      %swap3A_278 = arith.constant 0 : index
      %swap3A_279 = tpu.vector_load %arg6[%swap3A_277, %swap3A_278] {strides = array<i32>} : memref<488x128xf32, #tpu.memory_space<vmem>>, vector<16xf32>,
      tpu.vector_store %arg6[%swap3A_277, %swap3A_278], %broadcast_in_dim3A_4 {strides = array<i32>} : memref<488x128xf32, #tpu.memory_space<vmem>>, vector<16xf32>,
      %add3A_280 = arith.constant 3 : i32
      %add3A_281 = arith.addi %mul3A_155, %add3A_280 : i32
      %swap3A_282 = arith.index_cast %add3A_281 : i32 to index
      %swap3A_283 = arith.constant 16 : index
      %swap3A_284 = tpu.vector_load %arg6[%swap3A_282, %swap3A_283] {strides = array<i32>} : memref<488x128xf32, #tpu.memory_space<vmem>>, vector<16xf32>,
      tpu.vector_store %arg6[%swap3A_282, %swap3A_283], %broadcast_in_dim3A_4 {strides = array<i32>} : memref<488x128xf32, #tpu.memory_space<vmem>>, vector<16xf32>,
      %add3A_285 = arith.constant 3 : i32
      %add3A_286 = arith.addi %mul3A_155, %add3A_285 : i32
      %swap3A_287 = arith.index_cast %add3A_286 : i32 to index
      %swap3A_288 = arith.constant 32 : index
      %swap3A_289 = tpu.vector_load %arg6[%swap3A_287, %swap3A_288] {strides = array<i32>} : memref<488x128xf32, #tpu.memory_space<vmem>>, vector<16xf32>,
      tpu.vector_store %arg6[%swap3A_287, %swap3A_288], %broadcast_in_dim3A_4 {strides = array<i32>} : memref<488x128xf32, #tpu.memory_space<vmem>>, vector<16xf32>,
      %add3A_290 = arith.constant 3 : i32
      %add3A_291 = arith.addi %mul3A_155, %add3A_290 : i32
      %swap3A_292 = arith.index_cast %add3A_291 : i32 to index
      %swap3A_293 = arith.constant 48 : index
      %swap3A_294 = tpu.vector_load %arg6[%swap3A_292, %swap3A_293] {strides = array<i32>} : memref<488x128xf32, #tpu.memory_space<vmem>>, vector<16xf32>,
      tpu.vector_store %arg6[%swap3A_292, %swap3A_293], %broadcast_in_dim3A_4 {strides = array<i32>} : memref<488x128xf32, #tpu.memory_space<vmem>>, vector<16xf32>,
      %add3A_295 = arith.constant 3 : i32
      %add3A_296 = arith.addi %mul3A_155, %add3A_295 : i32
      %swap3A_297 = arith.index_cast %add3A_296 : i32 to index
      %swap3A_298 = arith.constant 64 : index
      %swap3A_299 = tpu.vector_load %arg6[%swap3A_297, %swap3A_298] {strides = array<i32>} : memref<488x128xf32, #tpu.memory_space<vmem>>, vector<16xf32>,
      tpu.vector_store %arg6[%swap3A_297, %swap3A_298], %broadcast_in_dim3A_4 {strides = array<i32>} : memref<488x128xf32, #tpu.memory_space<vmem>>, vector<16xf32>,
      %add3A_300 = arith.constant 3 : i32
      %add3A_301 = arith.addi %mul3A_155, %add3A_300 : i32
      %swap3A_302 = arith.index_cast %add3A_301 : i32 to index
      %swap3A_303 = arith.constant 80 : index
      %swap3A_304 = tpu.vector_load %arg6[%swap3A_302, %swap3A_303] {strides = array<i32>} : memref<488x128xf32, #tpu.memory_space<vmem>>, vector<16xf32>,
      tpu.vector_store %arg6[%swap3A_302, %swap3A_303], %broadcast_in_dim3A_4 {strides = array<i32>} : memref<488x128xf32, #tpu.memory_space<vmem>>, vector<16xf32>,
      %add3A_305 = arith.constant 3 : i32
      %add3A_306 = arith.addi %mul3A_155, %add3A_305 : i32
      %swap3A_307 = arith.index_cast %add3A_306 : i32 to index
      %swap3A_308 = arith.constant 96 : index
      %swap3A_309 = tpu.vector_load %arg6[%swap3A_307, %swap3A_308] {strides = array<i32>} : memref<488x128xf32, #tpu.memory_space<vmem>>, vector<16xf32>,
      tpu.vector_store %arg6[%swap3A_307, %swap3A_308], %broadcast_in_dim3A_4 {strides = array<i32>} : memref<488x128xf32, #tpu.memory_space<vmem>>, vector<16xf32>,
      %add3A_310 = arith.constant 3 : i32
      %add3A_311 = arith.addi %mul3A_155, %add3A_310 : i32
      %swap3A_312 = arith.index_cast %add3A_311 : i32 to index
      %swap3A_313 = arith.constant 112 : index
      %swap3A_314 = tpu.vector_load %arg6[%swap3A_312, %swap3A_313] {strides = array<i32>} : memref<488x128xf32, #tpu.memory_space<vmem>>, vector<16xf32>,
      tpu.vector_store %arg6[%swap3A_312, %swap3A_313], %broadcast_in_dim3A_4 {strides = array<i32>} : memref<488x128xf32, #tpu.memory_space<vmem>>, vector<16xf32>,
      %add3A_315 = arith.constant 4 : i32
      %add3A_316 = arith.addi %mul3A_155, %add3A_315 : i32
      %swap3A_317 = arith.index_cast %add3A_316 : i32 to index
      %swap3A_318 = arith.constant 0 : index
      %swap3A_319 = tpu.vector_load %arg6[%swap3A_317, %swap3A_318] {strides = array<i32>} : memref<488x128xf32, #tpu.memory_space<vmem>>, vector<16xf32>,
      tpu.vector_store %arg6[%swap3A_317, %swap3A_318], %broadcast_in_dim3A_4 {strides = array<i32>} : memref<488x128xf32, #tpu.memory_space<vmem>>, vector<16xf32>,
      %add3A_320 = arith.constant 4 : i32
      %add3A_321 = arith.addi %mul3A_155, %add3A_320 : i32
      %swap3A_322 = arith.index_cast %add3A_321 : i32 to index
      %swap3A_323 = arith.constant 16 : index
      %swap3A_324 = tpu.vector_load %arg6[%swap3A_322, %swap3A_323] {strides = array<i32>} : memref<488x128xf32, #tpu.memory_space<vmem>>, vector<16xf32>,
      tpu.vector_store %arg6[%swap3A_322, %swap3A_323], %broadcast_in_dim3A_4 {strides = array<i32>} : memref<488x128xf32, #tpu.memory_space<vmem>>, vector<16xf32>,
      %add3A_325 = arith.constant 4 : i32
      %add3A_326 = arith.addi %mul3A_155, %add3A_325 : i32
      %swap3A_327 = arith.index_cast %add3A_326 : i32 to index
      %swap3A_328 = arith.constant 32 : index
      %swap3A_329 = tpu.vector_load %arg6[%swap3A_327, %swap3A_328] {strides = array<i32>} : memref<488x128xf32, #tpu.memory_space<vmem>>, vector<16xf32>,
      tpu.vector_store %arg6[%swap3A_327, %swap3A_328], %broadcast_in_dim3A_4 {strides = array<i32>} : memref<488x128xf32, #tpu.memory_space<vmem>>, vector<16xf32>,
      %add3A_330 = arith.constant 4 : i32
      %add3A_331 = arith.addi %mul3A_155, %add3A_330 : i32
      %swap3A_332 = arith.index_cast %add3A_331 : i32 to index
      %swap3A_333 = arith.constant 48 : index
      %swap3A_334 = tpu.vector_load %arg6[%swap3A_332, %swap3A_333] {strides = array<i32>} : memref<488x128xf32, #tpu.memory_space<vmem>>, vector<16xf32>,
      tpu.vector_store %arg6[%swap3A_332, %swap3A_333], %broadcast_in_dim3A_4 {strides = array<i32>} : memref<488x128xf32, #tpu.memory_space<vmem>>, vector<16xf32>,
      %add3A_335 = arith.constant 4 : i32
      %add3A_336 = arith.addi %mul3A_155, %add3A_335 : i32
      %swap3A_337 = arith.index_cast %add3A_336 : i32 to index
      %swap3A_338 = arith.constant 64 : index
      %swap3A_339 = tpu.vector_load %arg6[%swap3A_337, %swap3A_338] {strides = array<i32>} : memref<488x128xf32, #tpu.memory_space<vmem>>, vector<16xf32>,
      tpu.vector_store %arg6[%swap3A_337, %swap3A_338], %broadcast_in_dim3A_4 {strides = array<i32>} : memref<488x128xf32, #tpu.memory_space<vmem>>, vector<16xf32>,
      %add3A_340 = arith.constant 4 : i32
      %add3A_341 = arith.addi %mul3A_155, %add3A_340 : i32
      %swap3A_342 = arith.index_cast %add3A_341 : i32 to index
      %swap3A_343 = arith.constant 80 : index
      %swap3A_344 = tpu.vector_load %arg6[%swap3A_342, %swap3A_343] {strides = array<i32>} : memref<488x128xf32, #tpu.memory_space<vmem>>, vector<16xf32>,
      tpu.vector_store %arg6[%swap3A_342, %swap3A_343], %broadcast_in_dim3A_4 {strides = array<i32>} : memref<488x128xf32, #tpu.memory_space<vmem>>, vector<16xf32>,
      %add3A_345 = arith.constant 4 : i32
      %add3A_346 = arith.addi %mul3A_155, %add3A_345 : i32
      %swap3A_347 = arith.index_cast %add3A_346 : i32 to index
      %swap3A_348 = arith.constant 96 : index
      %swap3A_349 = tpu.vector_load %arg6[%swap3A_347, %swap3A_348] {strides = array<i32>} : memref<488x128xf32, #tpu.memory_space<vmem>>, vector<16xf32>,
      tpu.vector_store %arg6[%swap3A_347, %swap3A_348], %broadcast_in_dim3A_4 {strides = array<i32>} : memref<488x128xf32, #tpu.memory_space<vmem>>, vector<16xf32>,
      %add3A_350 = arith.constant 4 : i32
      %add3A_351 = arith.addi %mul3A_155, %add3A_350 : i32
      %swap3A_352 = arith.index_cast %add3A_351 : i32 to index
      %swap3A_353 = arith.constant 112 : index
      %swap3A_354 = tpu.vector_load %arg6[%swap3A_352, %swap3A_353] {strides = array<i32>} : memref<488x128xf32, #tpu.memory_space<vmem>>, vector<16xf32>,
      tpu.vector_store %arg6[%swap3A_352, %swap3A_353], %broadcast_in_dim3A_4 {strides = array<i32>} : memref<488x128xf32, #tpu.memory_space<vmem>>, vector<16xf32>,
      %add3A_355 = arith.constant 5 : i32
      %add3A_356 = arith.addi %mul3A_155, %add3A_355 : i32
      %swap3A_357 = arith.index_cast %add3A_356 : i32 to index
      %swap3A_358 = arith.constant 0 : index
      %swap3A_359 = tpu.vector_load %arg6[%swap3A_357, %swap3A_358] {strides = array<i32>} : memref<488x128xf32, #tpu.memory_space<vmem>>, vector<16xf32>,
      tpu.vector_store %arg6[%swap3A_357, %swap3A_358], %broadcast_in_dim3A_4 {strides = array<i32>} : memref<488x128xf32, #tpu.memory_space<vmem>>, vector<16xf32>,
      %add3A_360 = arith.constant 5 : i32
      %add3A_361 = arith.addi %mul3A_155, %add3A_360 : i32
      %swap3A_362 = arith.index_cast %add3A_361 : i32 to index
      %swap3A_363 = arith.constant 16 : index
      %swap3A_364 = tpu.vector_load %arg6[%swap3A_362, %swap3A_363] {strides = array<i32>} : memref<488x128xf32, #tpu.memory_space<vmem>>, vector<16xf32>,
      tpu.vector_store %arg6[%swap3A_362, %swap3A_363], %broadcast_in_dim3A_4 {strides = array<i32>} : memref<488x128xf32, #tpu.memory_space<vmem>>, vector<16xf32>,
      %add3A_365 = arith.constant 5 : i32
      %add3A_366 = arith.addi %mul3A_155, %add3A_365 : i32
      %swap3A_367 = arith.index_cast %add3A_366 : i32 to index
      %swap3A_368 = arith.constant 32 : index
      %swap3A_369 = tpu.vector_load %arg6[%swap3A_367, %swap3A_368] {strides = array<i32>} : memref<488x128xf32, #tpu.memory_space<vmem>>, vector<16xf32>,
      tpu.vector_store %arg6[%swap3A_367, %swap3A_368], %broadcast_in_dim3A_4 {strides = array<i32>} : memref<488x128xf32, #tpu.memory_space<vmem>>, vector<16xf32>,
      %add3A_370 = arith.constant 5 : i32
      %add3A_371 = arith.addi %mul3A_155, %add3A_370 : i32
      %swap3A_372 = arith.index_cast %add3A_371 : i32 to index
      %swap3A_373 = arith.constant 48 : index
      %swap3A_374 = tpu.vector_load %arg6[%swap3A_372, %swap3A_373] {strides = array<i32>} : memref<488x128xf32, #tpu.memory_space<vmem>>, vector<16xf32>,
      tpu.vector_store %arg6[%swap3A_372, %swap3A_373], %broadcast_in_dim3A_4 {strides = array<i32>} : memref<488x128xf32, #tpu.memory_space<vmem>>, vector<16xf32>,
      %add3A_375 = arith.constant 5 : i32
      %add3A_376 = arith.addi %mul3A_155, %add3A_375 : i32
      %swap3A_377 = arith.index_cast %add3A_376 : i32 to index
      %swap3A_378 = arith.constant 64 : index
      %swap3A_379 = tpu.vector_load %arg6[%swap3A_377, %swap3A_378] {strides = array<i32>} : memref<488x128xf32, #tpu.memory_space<vmem>>, vector<16xf32>,
      tpu.vector_store %arg6[%swap3A_377, %swap3A_378], %broadcast_in_dim3A_4 {strides = array<i32>} : memref<488x128xf32, #tpu.memory_space<vmem>>, vector<16xf32>,
      %add3A_380 = arith.constant 5 : i32
      %add3A_381 = arith.addi %mul3A_155, %add3A_380 : i32
      %swap3A_382 = arith.index_cast %add3A_381 : i32 to index
      %swap3A_383 = arith.constant 80 : index
      %swap3A_384 = tpu.vector_load %arg6[%swap3A_382, %swap3A_383] {strides = array<i32>} : memref<488x128xf32, #tpu.memory_space<vmem>>, vector<16xf32>,
      tpu.vector_store %arg6[%swap3A_382, %swap3A_383], %broadcast_in_dim3A_4 {strides = array<i32>} : memref<488x128xf32, #tpu.memory_space<vmem>>, vector<16xf32>,
      %add3A_385 = arith.constant 5 : i32
      %add3A_386 = arith.addi %mul3A_155, %add3A_385 : i32
      %swap3A_387 = arith.index_cast %add3A_386 : i32 to index
      %swap3A_388 = arith.constant 96 : index
      %swap3A_389 = tpu.vector_load %arg6[%swap3A_387, %swap3A_388] {strides = array<i32>} : memref<488x128xf32, #tpu.memory_space<vmem>>, vector<16xf32>,
      tpu.vector_store %arg6[%swap3A_387, %swap3A_388], %broadcast_in_dim3A_4 {strides = array<i32>} : memref<488x128xf32, #tpu.memory_space<vmem>>, vector<16xf32>,
      %add3A_390 = arith.constant 5 : i32
      %add3A_391 = arith.addi %mul3A_155, %add3A_390 : i32
      %swap3A_392 = arith.index_cast %add3A_391 : i32 to index
      %swap3A_393 = arith.constant 112 : index
      %swap3A_394 = tpu.vector_load %arg6[%swap3A_392, %swap3A_393] {strides = array<i32>} : memref<488x128xf32, #tpu.memory_space<vmem>>, vector<16xf32>,
      tpu.vector_store %arg6[%swap3A_392, %swap3A_393], %broadcast_in_dim3A_4 {strides = array<i32>} : memref<488x128xf32, #tpu.memory_space<vmem>>, vector<16xf32>,
      %add3A_395 = arith.constant 6 : i32
      %add3A_396 = arith.addi %mul3A_155, %add3A_395 : i32
      %swap3A_397 = arith.index_cast %add3A_396 : i32 to index
      %swap3A_398 = arith.constant 0 : index
      %swap3A_399 = tpu.vector_load %arg6[%swap3A_397, %swap3A_398] {strides = array<i32>} : memref<488x128xf32, #tpu.memory_space<vmem>>, vector<16xf32>,
      tpu.vector_store %arg6[%swap3A_397, %swap3A_398], %broadcast_in_dim3A_4 {strides = array<i32>} : memref<488x128xf32, #tpu.memory_space<vmem>>, vector<16xf32>,
      %add3A_400 = arith.constant 6 : i32
      %add3A_401 = arith.addi %mul3A_155, %add3A_400 : i32
      %swap3A_402 = arith.index_cast %add3A_401 : i32 to index
      %swap3A_403 = arith.constant 16 : index
      %swap3A_404 = tpu.vector_load %arg6[%swap3A_402, %swap3A_403] {strides = array<i32>} : memref<488x128xf32, #tpu.memory_space<vmem>>, vector<16xf32>,
      tpu.vector_store %arg6[%swap3A_402, %swap3A_403], %broadcast_in_dim3A_4 {strides = array<i32>} : memref<488x128xf32, #tpu.memory_space<vmem>>, vector<16xf32>,
      %add3A_405 = arith.constant 6 : i32
      %add3A_406 = arith.addi %mul3A_155, %add3A_405 : i32
      %swap3A_407 = arith.index_cast %add3A_406 : i32 to index
      %swap3A_408 = arith.constant 32 : index
      %swap3A_409 = tpu.vector_load %arg6[%swap3A_407, %swap3A_408] {strides = array<i32>} : memref<488x128xf32, #tpu.memory_space<vmem>>, vector<16xf32>,
      tpu.vector_store %arg6[%swap3A_407, %swap3A_408], %broadcast_in_dim3A_4 {strides = array<i32>} : memref<488x128xf32, #tpu.memory_space<vmem>>, vector<16xf32>,
      %add3A_410 = arith.constant 6 : i32
      %add3A_411 = arith.addi %mul3A_155, %add3A_410 : i32
      %swap3A_412 = arith.index_cast %add3A_411 : i32 to index
      %swap3A_413 = arith.constant 48 : index
      %swap3A_414 = tpu.vector_load %arg6[%swap3A_412, %swap3A_413] {strides = array<i32>} : memref<488x128xf32, #tpu.memory_space<vmem>>, vector<16xf32>,
      tpu.vector_store %arg6[%swap3A_412, %swap3A_413], %broadcast_in_dim3A_4 {strides = array<i32>} : memref<488x128xf32, #tpu.memory_space<vmem>>, vector<16xf32>,
      %add3A_415 = arith.constant 6 : i32
      %add3A_416 = arith.addi %mul3A_155, %add3A_415 : i32
      %swap3A_417 = arith.index_cast %add3A_416 : i32 to index
      %swap3A_418 = arith.constant 64 : index
      %swap3A_419 = tpu.vector_load %arg6[%swap3A_417, %swap3A_418] {strides = array<i32>} : memref<488x128xf32, #tpu.memory_space<vmem>>, vector<16xf32>,
      tpu.vector_store %arg6[%swap3A_417, %swap3A_418], %broadcast_in_dim3A_4 {strides = array<i32>} : memref<488x128xf32, #tpu.memory_space<vmem>>, vector<16xf32>,
      %add3A_420 = arith.constant 6 : i32
      %add3A_421 = arith.addi %mul3A_155, %add3A_420 : i32
      %swap3A_422 = arith.index_cast %add3A_421 : i32 to index
      %swap3A_423 = arith.constant 80 : index
      %swap3A_424 = tpu.vector_load %arg6[%swap3A_422, %swap3A_423] {strides = array<i32>} : memref<488x128xf32, #tpu.memory_space<vmem>>, vector<16xf32>,
      tpu.vector_store %arg6[%swap3A_422, %swap3A_423], %broadcast_in_dim3A_4 {strides = array<i32>} : memref<488x128xf32, #tpu.memory_space<vmem>>, vector<16xf32>,
      %add3A_425 = arith.constant 6 : i32
      %add3A_426 = arith.addi %mul3A_155, %add3A_425 : i32
      %swap3A_427 = arith.index_cast %add3A_426 : i32 to index
      %swap3A_428 = arith.constant 96 : index
      %swap3A_429 = tpu.vector_load %arg6[%swap3A_427, %swap3A_428] {strides = array<i32>} : memref<488x128xf32, #tpu.memory_space<vmem>>, vector<16xf32>,
      tpu.vector_store %arg6[%swap3A_427, %swap3A_428], %broadcast_in_dim3A_4 {strides = array<i32>} : memref<488x128xf32, #tpu.memory_space<vmem>>, vector<16xf32>,
      %add3A_430 = arith.constant 6 : i32
      %add3A_431 = arith.addi %mul3A_155, %add3A_430 : i32
      %swap3A_432 = arith.index_cast %add3A_431 : i32 to index
      %swap3A_433 = arith.constant 112 : index
      %swap3A_434 = tpu.vector_load %arg6[%swap3A_432, %swap3A_433] {strides = array<i32>} : memref<488x128xf32, #tpu.memory_space<vmem>>, vector<16xf32>,
      tpu.vector_store %arg6[%swap3A_432, %swap3A_433], %broadcast_in_dim3A_4 {strides = array<i32>} : memref<488x128xf32, #tpu.memory_space<vmem>>, vector<16xf32>,
      %add3A_435 = arith.constant 7 : i32
      %add3A_436 = arith.addi %mul3A_155, %add3A_435 : i32
      %swap3A_437 = arith.index_cast %add3A_436 : i32 to index
      %swap3A_438 = arith.constant 0 : index
      %swap3A_439 = tpu.vector_load %arg6[%swap3A_437, %swap3A_438] {strides = array<i32>} : memref<488x128xf32, #tpu.memory_space<vmem>>, vector<16xf32>,
      tpu.vector_store %arg6[%swap3A_437, %swap3A_438], %broadcast_in_dim3A_4 {strides = array<i32>} : memref<488x128xf32, #tpu.memory_space<vmem>>, vector<16xf32>,
      %add3A_440 = arith.constant 7 : i32
      %add3A_441 = arith.addi %mul3A_155, %add3A_440 : i32
      %swap3A_442 = arith.index_cast %add3A_441 : i32 to index
      %swap3A_443 = arith.constant 16 : index
      %swap3A_444 = tpu.vector_load %arg6[%swap3A_442, %swap3A_443] {strides = array<i32>} : memref<488x128xf32, #tpu.memory_space<vmem>>, vector<16xf32>,
      tpu.vector_store %arg6[%swap3A_442, %swap3A_443], %broadcast_in_dim3A_4 {strides = array<i32>} : memref<488x128xf32, #tpu.memory_space<vmem>>, vector<16xf32>,
      %add3A_445 = arith.constant 7 : i32
      %add3A_446 = arith.addi %mul3A_155, %add3A_445 : i32
      %swap3A_447 = arith.index_cast %add3A_446 : i32 to index
      %swap3A_448 = arith.constant 32 : index
      %swap3A_449 = tpu.vector_load %arg6[%swap3A_447, %swap3A_448] {strides = array<i32>} : memref<488x128xf32, #tpu.memory_space<vmem>>, vector<16xf32>,
      tpu.vector_store %arg6[%swap3A_447, %swap3A_448], %broadcast_in_dim3A_4 {strides = array<i32>} : memref<488x128xf32, #tpu.memory_space<vmem>>, vector<16xf32>,
      %add3A_450 = arith.constant 7 : i32
      %add3A_451 = arith.addi %mul3A_155, %add3A_450 : i32
      %swap3A_452 = arith.index_cast %add3A_451 : i32 to index
      %swap3A_453 = arith.constant 48 : index
      %swap3A_454 = tpu.vector_load %arg6[%swap3A_452, %swap3A_453] {strides = array<i32>} : memref<488x128xf32, #tpu.memory_space<vmem>>, vector<16xf32>,
      tpu.vector_store %arg6[%swap3A_452, %swap3A_453], %broadcast_in_dim3A_4 {strides = array<i32>} : memref<488x128xf32, #tpu.memory_space<vmem>>, vector<16xf32>,
      %add3A_455 = arith.constant 7 : i32
      %add3A_456 = arith.addi %mul3A_155, %add3A_455 : i32
      %swap3A_457 = arith.index_cast %add3A_456 : i32 to index
      %swap3A_458 = arith.constant 64 : index
      %swap3A_459 = tpu.vector_load %arg6[%swap3A_457, %swap3A_458] {strides = array<i32>} : memref<488x128xf32, #tpu.memory_space<vmem>>, vector<16xf32>,
      tpu.vector_store %arg6[%swap3A_457, %swap3A_458], %broadcast_in_dim3A_4 {strides = array<i32>} : memref<488x128xf32, #tpu.memory_space<vmem>>, vector<16xf32>,
      %add3A_460 = arith.constant 7 : i32
      %add3A_461 = arith.addi %mul3A_155, %add3A_460 : i32
      %swap3A_462 = arith.index_cast %add3A_461 : i32 to index
      %swap3A_463 = arith.constant 80 : index
      %swap3A_464 = tpu.vector_load %arg6[%swap3A_462, %swap3A_463] {strides = array<i32>} : memref<488x128xf32, #tpu.memory_space<vmem>>, vector<16xf32>,
      tpu.vector_store %arg6[%swap3A_462, %swap3A_463], %broadcast_in_dim3A_4 {strides = array<i32>} : memref<488x128xf32, #tpu.memory_space<vmem>>, vector<16xf32>,
      %add3A_465 = arith.constant 7 : i32
      %add3A_466 = arith.addi %mul3A_155, %add3A_465 : i32
      %swap3A_467 = arith.index_cast %add3A_466 : i32 to index
      %swap3A_468 = arith.constant 96 : index
      %swap3A_469 = tpu.vector_load %arg6[%swap3A_467, %swap3A_468] {strides = array<i32>} : memref<488x128xf32, #tpu.memory_space<vmem>>, vector<16xf32>,
      tpu.vector_store %arg6[%swap3A_467, %swap3A_468], %broadcast_in_dim3A_4 {strides = array<i32>} : memref<488x128xf32, #tpu.memory_space<vmem>>, vector<16xf32>,
      %add3A_470 = arith.constant 7 : i32
      %add3A_471 = arith.addi %mul3A_155, %add3A_470 : i32
      %swap3A_472 = arith.index_cast %add3A_471 : i32 to index
      %swap3A_473 = arith.constant 112 : index
      %swap3A_474 = tpu.vector_load %arg6[%swap3A_472, %swap3A_473] {strides = array<i32>} : memref<488x128xf32, #tpu.memory_space<vmem>>, vector<16xf32>,
      tpu.vector_store %arg6[%swap3A_472, %swap3A_473], %broadcast_in_dim3A_4 {strides = array<i32>} : memref<488x128xf32, #tpu.memory_space<vmem>>, vector<16xf32>,
    }
    %scan3A_86 = arith.constant 61 : i32
    %sub3A = arith.constant 512 : i32
    %sub3A_87 = vector.broadcast %sub3A : i32 to vector<16xi32>
    %sub3A_88 = arith.subi %get3A_37, %sub3A_87 : vector<16xi32>
    %ge3A = arith.constant 512 : i32
    %ge3A_89 = vector.broadcast %ge3A : i32 to vector<16xi32>
    %ge3A_90 = arith.cmpi sge, %get3A_37, %ge3A_89 : vector<16xi32>
    tpu.vector_store_idx %arg6[%sub3A_88, %add3A_15], %broadcast_in_dim3A_12 masked %ge3A_90 : memref<488x128xf32, #tpu.memory_space<vmem>>[vector<16xi32>, vector<16xi32>], vector<16xf32>, vector<16xi1>
    %sub3A_91 = arith.constant 512 : i32
    %sub3A_92 = vector.broadcast %sub3A_91 : i32 to vector<16xi32>
    %sub3A_93 = arith.subi %get3A_39, %sub3A_92 : vector<16xi32>
    %ge3A_94 = arith.constant 512 : i32
    %ge3A_95 = vector.broadcast %ge3A_94 : i32 to vector<16xi32>
    %ge3A_96 = arith.cmpi sge, %get3A_39, %ge3A_95 : vector<16xi32>
    tpu.vector_store_idx %arg6[%sub3A_93, %add3A_18], %broadcast_in_dim3A_12 masked %ge3A_96 : memref<488x128xf32, #tpu.memory_space<vmem>>[vector<16xi32>, vector<16xi32>], vector<16xf32>, vector<16xi1>
    %sub3A_97 = arith.constant 512 : i32
    %sub3A_98 = vector.broadcast %sub3A_97 : i32 to vector<16xi32>
    %sub3A_99 = arith.subi %get3A_41, %sub3A_98 : vector<16xi32>
    %ge3A_100 = arith.constant 512 : i32
    %ge3A_101 = vector.broadcast %ge3A_100 : i32 to vector<16xi32>
    %ge3A_102 = arith.cmpi sge, %get3A_41, %ge3A_101 : vector<16xi32>
    tpu.vector_store_idx %arg6[%sub3A_99, %add3A_21], %broadcast_in_dim3A_12 masked %ge3A_102 : memref<488x128xf32, #tpu.memory_space<vmem>>[vector<16xi32>, vector<16xi32>], vector<16xf32>, vector<16xi1>
    %sub3A_103 = arith.constant 512 : i32
    %sub3A_104 = vector.broadcast %sub3A_103 : i32 to vector<16xi32>
    %sub3A_105 = arith.subi %get3A_43, %sub3A_104 : vector<16xi32>
    %ge3A_106 = arith.constant 512 : i32
    %ge3A_107 = vector.broadcast %ge3A_106 : i32 to vector<16xi32>
    %ge3A_108 = arith.cmpi sge, %get3A_43, %ge3A_107 : vector<16xi32>
    tpu.vector_store_idx %arg6[%sub3A_105, %add3A_24], %broadcast_in_dim3A_12 masked %ge3A_108 : memref<488x128xf32, #tpu.memory_space<vmem>>[vector<16xi32>, vector<16xi32>], vector<16xf32>, vector<16xi1>
    %sub3A_109 = arith.constant 512 : i32
    %sub3A_110 = vector.broadcast %sub3A_109 : i32 to vector<16xi32>
    %sub3A_111 = arith.subi %get3A_45, %sub3A_110 : vector<16xi32>
    %ge3A_112 = arith.constant 512 : i32
    %ge3A_113 = vector.broadcast %ge3A_112 : i32 to vector<16xi32>
    %ge3A_114 = arith.cmpi sge, %get3A_45, %ge3A_113 : vector<16xi32>
    tpu.vector_store_idx %arg6[%sub3A_111, %add3A_27], %broadcast_in_dim3A_12 masked %ge3A_114 : memref<488x128xf32, #tpu.memory_space<vmem>>[vector<16xi32>, vector<16xi32>], vector<16xf32>, vector<16xi1>
    %sub3A_115 = arith.constant 512 : i32
    %sub3A_116 = vector.broadcast %sub3A_115 : i32 to vector<16xi32>
    %sub3A_117 = arith.subi %get3A_47, %sub3A_116 : vector<16xi32>
    %ge3A_118 = arith.constant 512 : i32
    %ge3A_119 = vector.broadcast %ge3A_118 : i32 to vector<16xi32>
    %ge3A_120 = arith.cmpi sge, %get3A_47, %ge3A_119 : vector<16xi32>
    tpu.vector_store_idx %arg6[%sub3A_117, %add3A_30], %broadcast_in_dim3A_12 masked %ge3A_120 : memref<488x128xf32, #tpu.memory_space<vmem>>[vector<16xi32>, vector<16xi32>], vector<16xf32>, vector<16xi1>
    %sub3A_121 = arith.constant 512 : i32
    %sub3A_122 = vector.broadcast %sub3A_121 : i32 to vector<16xi32>
    %sub3A_123 = arith.subi %get3A_49, %sub3A_122 : vector<16xi32>
    %ge3A_124 = arith.constant 512 : i32
    %ge3A_125 = vector.broadcast %ge3A_124 : i32 to vector<16xi32>
    %ge3A_126 = arith.cmpi sge, %get3A_49, %ge3A_125 : vector<16xi32>
    tpu.vector_store_idx %arg6[%sub3A_123, %add3A_33], %broadcast_in_dim3A_12 masked %ge3A_126 : memref<488x128xf32, #tpu.memory_space<vmem>>[vector<16xi32>, vector<16xi32>], vector<16xf32>, vector<16xi1>
    %sub3A_127 = arith.constant 512 : i32
    %sub3A_128 = vector.broadcast %sub3A_127 : i32 to vector<16xi32>
    %sub3A_129 = arith.subi %get3A_51, %sub3A_128 : vector<16xi32>
    %ge3A_130 = arith.constant 512 : i32
    %ge3A_131 = vector.broadcast %ge3A_130 : i32 to vector<16xi32>
    %ge3A_132 = arith.cmpi sge, %get3A_51, %ge3A_131 : vector<16xi32>
    tpu.vector_store_idx %arg6[%sub3A_129, %add3A_36], %broadcast_in_dim3A_12 masked %ge3A_132 : memref<488x128xf32, #tpu.memory_space<vmem>>[vector<16xi32>, vector<16xi32>], vector<16xf32>, vector<16xi1>
    %add3A_133 = arith.constant 0 : i32
    %add3A_134 = arith.addi %mul3A_2, %add3A_133 : i32
    %dma_start3A_135 = arith.constant 512 : i32
    %dma_start3A_136 = tpu.memref_slice %arg3[%dma_start3A_135, %add3A_134] : memref<1000x16384xf32, #tpu.memory_space<hbm>> -> memref<488x128xf32, #tpu.memory_space<hbm>>
    %dma_start3A_137 = arith.constant 512 : i32
    %dma_start3A_138 = tpu.memref_slice %arg3[%dma_start3A_137, %add3A_134] : memref<1000x16384xf32, #tpu.memory_space<hbm>> -> memref<488x128xf32, #tpu.memory_space<hbm>>
    tpu.enqueue_dma source(%arg6 : memref<488x128xf32, #tpu.memory_space<vmem>>) target(%dma_start3A_138 : memref<488x128xf32, #tpu.memory_space<hbm>>) target_semaphore(%arg9 : memref<!tpu.dma_semaphore, #tpu.memory_space<semaphore_mem>>)
    %scan3A_139 = arith.constant 0 : i32
    %scan3A_140 = arith.constant 1 : i32
    %scan3A_141 = arith.constant 3 : i32
    %scan3A_142 = arith.addi %scan3A_140, %scan3A_141 : i32
    %scan3A_143 = arith.constant 1 : i32
    scf.for %scan3A_153 = %scan3A_140 to %scan3A_142 step %scan3A_143  : i32 {
      %sub3A_154 = arith.constant 1 : i32
      %sub3A_155 = arith.subi %scan3A_153, %sub3A_154 : i32
      %mul3A_156 = arith.constant 128 : i32
      %mul3A_157 = arith.muli %sub3A_155, %mul3A_156 : i32
      %add3A_158 = arith.constant 0 : i32
      %add3A_159 = arith.addi %mul3A_157, %add3A_158 : i32
      %get3A_160 = arith.index_cast %add3A_159 : i32 to index
      %get3A_161 = tpu.vector_load %arg4[%get3A_160] {strides = array<i32>} : memref<512xi32, #tpu.memory_space<vmem>>, vector<16xi32>,
      %mul3A_162 = arith.constant 128 : i32
      %mul3A_163 = arith.muli %sub3A_155, %mul3A_162 : i32
      %add3A_164 = arith.constant 16 : i32
      %add3A_165 = arith.addi %mul3A_163, %add3A_164 : i32
      %get3A_166 = arith.index_cast %add3A_165 : i32 to index
      %get3A_167 = tpu.vector_load %arg4[%get3A_166] {strides = array<i32>} : memref<512xi32, #tpu.memory_space<vmem>>, vector<16xi32>,
      %mul3A_168 = arith.constant 128 : i32
      %mul3A_169 = arith.muli %sub3A_155, %mul3A_168 : i32
      %add3A_170 = arith.constant 32 : i32
      %add3A_171 = arith.addi %mul3A_169, %add3A_170 : i32
      %get3A_172 = arith.index_cast %add3A_171 : i32 to index
      %get3A_173 = tpu.vector_load %arg4[%get3A_172] {strides = array<i32>} : memref<512xi32, #tpu.memory_space<vmem>>, vector<16xi32>,
      %mul3A_174 = arith.constant 128 : i32
      %mul3A_175 = arith.muli %sub3A_155, %mul3A_174 : i32
      %add3A_176 = arith.constant 48 : i32
      %add3A_177 = arith.addi %mul3A_175, %add3A_176 : i32
      %get3A_178 = arith.index_cast %add3A_177 : i32 to index
      %get3A_179 = tpu.vector_load %arg4[%get3A_178] {strides = array<i32>} : memref<512xi32, #tpu.memory_space<vmem>>, vector<16xi32>,
      %mul3A_180 = arith.constant 128 : i32
      %mul3A_181 = arith.muli %sub3A_155, %mul3A_180 : i32
      %add3A_182 = arith.constant 64 : i32
      %add3A_183 = arith.addi %mul3A_181, %add3A_182 : i32
      %get3A_184 = arith.index_cast %add3A_183 : i32 to index
      %get3A_185 = tpu.vector_load %arg4[%get3A_184] {strides = array<i32>} : memref<512xi32, #tpu.memory_space<vmem>>, vector<16xi32>,
      %mul3A_186 = arith.constant 128 : i32
      %mul3A_187 = arith.muli %sub3A_155, %mul3A_186 : i32
      %add3A_188 = arith.constant 80 : i32
      %add3A_189 = arith.addi %mul3A_187, %add3A_188 : i32
      %get3A_190 = arith.index_cast %add3A_189 : i32 to index
      %get3A_191 = tpu.vector_load %arg4[%get3A_190] {strides = array<i32>} : memref<512xi32, #tpu.memory_space<vmem>>, vector<16xi32>,
      %mul3A_192 = arith.constant 128 : i32
      %mul3A_193 = arith.muli %sub3A_155, %mul3A_192 : i32
      %add3A_194 = arith.constant 96 : i32
      %add3A_195 = arith.addi %mul3A_193, %add3A_194 : i32
      %get3A_196 = arith.index_cast %add3A_195 : i32 to index
      %get3A_197 = tpu.vector_load %arg4[%get3A_196] {strides = array<i32>} : memref<512xi32, #tpu.memory_space<vmem>>, vector<16xi32>,
      %mul3A_198 = arith.constant 128 : i32
      %mul3A_199 = arith.muli %sub3A_155, %mul3A_198 : i32
      %add3A_200 = arith.constant 112 : i32
      %add3A_201 = arith.addi %mul3A_199, %add3A_200 : i32
      %get3A_202 = arith.index_cast %add3A_201 : i32 to index
      %get3A_203 = tpu.vector_load %arg4[%get3A_202] {strides = array<i32>} : memref<512xi32, #tpu.memory_space<vmem>>, vector<16xi32>,
      %mul3A_204 = arith.constant 128 : i32
      %mul3A_205 = arith.muli %scan3A_153, %mul3A_204 : i32
      %add3A_206 = arith.constant 0 : i32
      %add3A_207 = arith.addi %mul3A_205, %add3A_206 : i32
      %get3A_208 = arith.index_cast %add3A_207 : i32 to index
      %get3A_209 = tpu.vector_load %arg4[%get3A_208] {strides = array<i32>} : memref<512xi32, #tpu.memory_space<vmem>>, vector<16xi32>,
      %mul3A_210 = arith.constant 128 : i32
      %mul3A_211 = arith.muli %scan3A_153, %mul3A_210 : i32
      %add3A_212 = arith.constant 16 : i32
      %add3A_213 = arith.addi %mul3A_211, %add3A_212 : i32
      %get3A_214 = arith.index_cast %add3A_213 : i32 to index
      %get3A_215 = tpu.vector_load %arg4[%get3A_214] {strides = array<i32>} : memref<512xi32, #tpu.memory_space<vmem>>, vector<16xi32>,
      %mul3A_216 = arith.constant 128 : i32
      %mul3A_217 = arith.muli %scan3A_153, %mul3A_216 : i32
      %add3A_218 = arith.constant 32 : i32
      %add3A_219 = arith.addi %mul3A_217, %add3A_218 : i32
      %get3A_220 = arith.index_cast %add3A_219 : i32 to index
      %get3A_221 = tpu.vector_load %arg4[%get3A_220] {strides = array<i32>} : memref<512xi32, #tpu.memory_space<vmem>>, vector<16xi32>,
      %mul3A_222 = arith.constant 128 : i32
      %mul3A_223 = arith.muli %scan3A_153, %mul3A_222 : i32
      %add3A_224 = arith.constant 48 : i32
      %add3A_225 = arith.addi %mul3A_223, %add3A_224 : i32
      %get3A_226 = arith.index_cast %add3A_225 : i32 to index
      %get3A_227 = tpu.vector_load %arg4[%get3A_226] {strides = array<i32>} : memref<512xi32, #tpu.memory_space<vmem>>, vector<16xi32>,
      %mul3A_228 = arith.constant 128 : i32
      %mul3A_229 = arith.muli %scan3A_153, %mul3A_228 : i32
      %add3A_230 = arith.constant 64 : i32
      %add3A_231 = arith.addi %mul3A_229, %add3A_230 : i32
      %get3A_232 = arith.index_cast %add3A_231 : i32 to index
      %get3A_233 = tpu.vector_load %arg4[%get3A_232] {strides = array<i32>} : memref<512xi32, #tpu.memory_space<vmem>>, vector<16xi32>,
      %mul3A_234 = arith.constant 128 : i32
      %mul3A_235 = arith.muli %scan3A_153, %mul3A_234 : i32
      %add3A_236 = arith.constant 80 : i32
      %add3A_237 = arith.addi %mul3A_235, %add3A_236 : i32
      %get3A_238 = arith.index_cast %add3A_237 : i32 to index
      %get3A_239 = tpu.vector_load %arg4[%get3A_238] {strides = array<i32>} : memref<512xi32, #tpu.memory_space<vmem>>, vector<16xi32>,
      %mul3A_240 = arith.constant 128 : i32
      %mul3A_241 = arith.muli %scan3A_153, %mul3A_240 : i32
      %add3A_242 = arith.constant 96 : i32
      %add3A_243 = arith.addi %mul3A_241, %add3A_242 : i32
      %get3A_244 = arith.index_cast %add3A_243 : i32 to index
      %get3A_245 = tpu.vector_load %arg4[%get3A_244] {strides = array<i32>} : memref<512xi32, #tpu.memory_space<vmem>>, vector<16xi32>,
      %mul3A_246 = arith.constant 128 : i32
      %mul3A_247 = arith.muli %scan3A_153, %mul3A_246 : i32
      %add3A_248 = arith.constant 112 : i32
      %add3A_249 = arith.addi %mul3A_247, %add3A_248 : i32
      %get3A_250 = arith.index_cast %add3A_249 : i32 to index
      %get3A_251 = tpu.vector_load %arg4[%get3A_250] {strides = array<i32>} : memref<512xi32, #tpu.memory_space<vmem>>, vector<16xi32>,
      %dma_wait3A_252 = arith.constant 0 : i32
      %dma_wait3A_253 = tpu.memref_slice %arg3[%dma_wait3A_252, %mul3A_2] : memref<1000x16384xf32, #tpu.memory_space<hbm>> -> memref<512x128xf32, #tpu.memory_space<hbm>>
      %dma_wait3A_254 = arith.constant 0 : i32
      %dma_wait3A_255 = tpu.memref_slice %arg3[%dma_wait3A_254, %mul3A_2] : memref<1000x16384xf32, #tpu.memory_space<hbm>> -> memref<512x128xf32, #tpu.memory_space<hbm>>
      tpu.wait_dma2 semaphore(%arg8 : memref<!tpu.dma_semaphore, #tpu.memory_space<semaphore_mem>>) src(%arg5 : memref<512x128xf32, #tpu.memory_space<vmem>>) dst(%dma_wait3A_255 : memref<512x128xf32, #tpu.memory_space<hbm>>)
      %lt3A_256 = arith.constant 512 : i32
      %lt3A_257 = vector.broadcast %lt3A_256 : i32 to vector<16xi32>
      %lt3A_258 = arith.cmpi slt, %get3A_161, %lt3A_257 : vector<16xi32>
      tpu.vector_store_idx %arg5[%get3A_161, %add3A_15], %broadcast_in_dim3A_4 masked %lt3A_258 : memref<512x128xf32, #tpu.memory_space<vmem>>[vector<16xi32>, vector<16xi32>], vector<16xf32>, vector<16xi1>
      %lt3A_259 = arith.constant 512 : i32
      %lt3A_260 = vector.broadcast %lt3A_259 : i32 to vector<16xi32>
      %lt3A_261 = arith.cmpi slt, %get3A_167, %lt3A_260 : vector<16xi32>
      tpu.vector_store_idx %arg5[%get3A_167, %add3A_18], %broadcast_in_dim3A_4 masked %lt3A_261 : memref<512x128xf32, #tpu.memory_space<vmem>>[vector<16xi32>, vector<16xi32>], vector<16xf32>, vector<16xi1>
      %lt3A_262 = arith.constant 512 : i32
      %lt3A_263 = vector.broadcast %lt3A_262 : i32 to vector<16xi32>
      %lt3A_264 = arith.cmpi slt, %get3A_173, %lt3A_263 : vector<16xi32>
      tpu.vector_store_idx %arg5[%get3A_173, %add3A_21], %broadcast_in_dim3A_4 masked %lt3A_264 : memref<512x128xf32, #tpu.memory_space<vmem>>[vector<16xi32>, vector<16xi32>], vector<16xf32>, vector<16xi1>
      %lt3A_265 = arith.constant 512 : i32
      %lt3A_266 = vector.broadcast %lt3A_265 : i32 to vector<16xi32>
      %lt3A_267 = arith.cmpi slt, %get3A_179, %lt3A_266 : vector<16xi32>
      tpu.vector_store_idx %arg5[%get3A_179, %add3A_24], %broadcast_in_dim3A_4 masked %lt3A_267 : memref<512x128xf32, #tpu.memory_space<vmem>>[vector<16xi32>, vector<16xi32>], vector<16xf32>, vector<16xi1>
      %lt3A_268 = arith.constant 512 : i32
      %lt3A_269 = vector.broadcast %lt3A_268 : i32 to vector<16xi32>
      %lt3A_270 = arith.cmpi slt, %get3A_185, %lt3A_269 : vector<16xi32>
      tpu.vector_store_idx %arg5[%get3A_185, %add3A_27], %broadcast_in_dim3A_4 masked %lt3A_270 : memref<512x128xf32, #tpu.memory_space<vmem>>[vector<16xi32>, vector<16xi32>], vector<16xf32>, vector<16xi1>
      %lt3A_271 = arith.constant 512 : i32
      %lt3A_272 = vector.broadcast %lt3A_271 : i32 to vector<16xi32>
      %lt3A_273 = arith.cmpi slt, %get3A_191, %lt3A_272 : vector<16xi32>
      tpu.vector_store_idx %arg5[%get3A_191, %add3A_30], %broadcast_in_dim3A_4 masked %lt3A_273 : memref<512x128xf32, #tpu.memory_space<vmem>>[vector<16xi32>, vector<16xi32>], vector<16xf32>, vector<16xi1>
      %lt3A_274 = arith.constant 512 : i32
      %lt3A_275 = vector.broadcast %lt3A_274 : i32 to vector<16xi32>
      %lt3A_276 = arith.cmpi slt, %get3A_197, %lt3A_275 : vector<16xi32>
      tpu.vector_store_idx %arg5[%get3A_197, %add3A_33], %broadcast_in_dim3A_4 masked %lt3A_276 : memref<512x128xf32, #tpu.memory_space<vmem>>[vector<16xi32>, vector<16xi32>], vector<16xf32>, vector<16xi1>
      %lt3A_277 = arith.constant 512 : i32
      %lt3A_278 = vector.broadcast %lt3A_277 : i32 to vector<16xi32>
      %lt3A_279 = arith.cmpi slt, %get3A_203, %lt3A_278 : vector<16xi32>
      tpu.vector_store_idx %arg5[%get3A_203, %add3A_36], %broadcast_in_dim3A_4 masked %lt3A_279 : memref<512x128xf32, #tpu.memory_space<vmem>>[vector<16xi32>, vector<16xi32>], vector<16xf32>, vector<16xi1>
      %lt3A_280 = arith.constant 512 : i32
      %lt3A_281 = vector.broadcast %lt3A_280 : i32 to vector<16xi32>
      %lt3A_282 = arith.cmpi slt, %get3A_209, %lt3A_281 : vector<16xi32>
      tpu.vector_store_idx %arg5[%get3A_209, %add3A_15], %broadcast_in_dim3A_12 masked %lt3A_282 : memref<512x128xf32, #tpu.memory_space<vmem>>[vector<16xi32>, vector<16xi32>], vector<16xf32>, vector<16xi1>
      %lt3A_283 = arith.constant 512 : i32
      %lt3A_284 = vector.broadcast %lt3A_283 : i32 to vector<16xi32>
      %lt3A_285 = arith.cmpi slt, %get3A_215, %lt3A_284 : vector<16xi32>
      tpu.vector_store_idx %arg5[%get3A_215, %add3A_18], %broadcast_in_dim3A_12 masked %lt3A_285 : memref<512x128xf32, #tpu.memory_space<vmem>>[vector<16xi32>, vector<16xi32>], vector<16xf32>, vector<16xi1>
      %lt3A_286 = arith.constant 512 : i32
      %lt3A_287 = vector.broadcast %lt3A_286 : i32 to vector<16xi32>
      %lt3A_288 = arith.cmpi slt, %get3A_221, %lt3A_287 : vector<16xi32>
      tpu.vector_store_idx %arg5[%get3A_221, %add3A_21], %broadcast_in_dim3A_12 masked %lt3A_288 : memref<512x128xf32, #tpu.memory_space<vmem>>[vector<16xi32>, vector<16xi32>], vector<16xf32>, vector<16xi1>
      %lt3A_289 = arith.constant 512 : i32
      %lt3A_290 = vector.broadcast %lt3A_289 : i32 to vector<16xi32>
      %lt3A_291 = arith.cmpi slt, %get3A_227, %lt3A_290 : vector<16xi32>
      tpu.vector_store_idx %arg5[%get3A_227, %add3A_24], %broadcast_in_dim3A_12 masked %lt3A_291 : memref<512x128xf32, #tpu.memory_space<vmem>>[vector<16xi32>, vector<16xi32>], vector<16xf32>, vector<16xi1>
      %lt3A_292 = arith.constant 512 : i32
      %lt3A_293 = vector.broadcast %lt3A_292 : i32 to vector<16xi32>
      %lt3A_294 = arith.cmpi slt, %get3A_233, %lt3A_293 : vector<16xi32>
      tpu.vector_store_idx %arg5[%get3A_233, %add3A_27], %broadcast_in_dim3A_12 masked %lt3A_294 : memref<512x128xf32, #tpu.memory_space<vmem>>[vector<16xi32>, vector<16xi32>], vector<16xf32>, vector<16xi1>
      %lt3A_295 = arith.constant 512 : i32
      %lt3A_296 = vector.broadcast %lt3A_295 : i32 to vector<16xi32>
      %lt3A_297 = arith.cmpi slt, %get3A_239, %lt3A_296 : vector<16xi32>
      tpu.vector_store_idx %arg5[%get3A_239, %add3A_30], %broadcast_in_dim3A_12 masked %lt3A_297 : memref<512x128xf32, #tpu.memory_space<vmem>>[vector<16xi32>, vector<16xi32>], vector<16xf32>, vector<16xi1>
      %lt3A_298 = arith.constant 512 : i32
      %lt3A_299 = vector.broadcast %lt3A_298 : i32 to vector<16xi32>
      %lt3A_300 = arith.cmpi slt, %get3A_245, %lt3A_299 : vector<16xi32>
      tpu.vector_store_idx %arg5[%get3A_245, %add3A_33], %broadcast_in_dim3A_12 masked %lt3A_300 : memref<512x128xf32, #tpu.memory_space<vmem>>[vector<16xi32>, vector<16xi32>], vector<16xf32>, vector<16xi1>
      %lt3A_301 = arith.constant 512 : i32
      %lt3A_302 = vector.broadcast %lt3A_301 : i32 to vector<16xi32>
      %lt3A_303 = arith.cmpi slt, %get3A_251, %lt3A_302 : vector<16xi32>
      tpu.vector_store_idx %arg5[%get3A_251, %add3A_36], %broadcast_in_dim3A_12 masked %lt3A_303 : memref<512x128xf32, #tpu.memory_space<vmem>>[vector<16xi32>, vector<16xi32>], vector<16xf32>, vector<16xi1>
      %mul3A_304 = arith.constant 128 : i32
      %mul3A_305 = arith.muli %scan3A_153, %mul3A_304 : i32
      %add3A_306 = arith.addi %mul3A_2, %mul3A_305 : i32
      %dma_start3A_307 = arith.constant 0 : i32
      %dma_start3A_308 = tpu.memref_slice %arg3[%dma_start3A_307, %add3A_306] : memref<1000x16384xf32, #tpu.memory_space<hbm>> -> memref<512x128xf32, #tpu.memory_space<hbm>>
      %dma_start3A_309 = arith.constant 0 : i32
      %dma_start3A_310 = tpu.memref_slice %arg3[%dma_start3A_309, %add3A_306] : memref<1000x16384xf32, #tpu.memory_space<hbm>> -> memref<512x128xf32, #tpu.memory_space<hbm>>
      tpu.enqueue_dma source(%arg5 : memref<512x128xf32, #tpu.memory_space<vmem>>) target(%dma_start3A_310 : memref<512x128xf32, #tpu.memory_space<hbm>>) target_semaphore(%arg8 : memref<!tpu.dma_semaphore, #tpu.memory_space<semaphore_mem>>)
      %dma_wait3A_311 = arith.constant 512 : i32
      %dma_wait3A_312 = tpu.memref_slice %arg3[%dma_wait3A_311, %mul3A_2] : memref<1000x16384xf32, #tpu.memory_space<hbm>> -> memref<488x128xf32, #tpu.memory_space<hbm>>
      %dma_wait3A_313 = arith.constant 512 : i32
      %dma_wait3A_314 = tpu.memref_slice %arg3[%dma_wait3A_313, %mul3A_2] : memref<1000x16384xf32, #tpu.memory_space<hbm>> -> memref<488x128xf32, #tpu.memory_space<hbm>>
      tpu.wait_dma2 semaphore(%arg9 : memref<!tpu.dma_semaphore, #tpu.memory_space<semaphore_mem>>) src(%arg6 : memref<488x128xf32, #tpu.memory_space<vmem>>) dst(%dma_wait3A_314 : memref<488x128xf32, #tpu.memory_space<hbm>>)
      %sub3A_315 = arith.constant 512 : i32
      %sub3A_316 = vector.broadcast %sub3A_315 : i32 to vector<16xi32>
      %sub3A_317 = arith.subi %get3A_161, %sub3A_316 : vector<16xi32>
      %ge3A_318 = arith.constant 512 : i32
      %ge3A_319 = vector.broadcast %ge3A_318 : i32 to vector<16xi32>
      %ge3A_320 = arith.cmpi sge, %get3A_161, %ge3A_319 : vector<16xi32>
      tpu.vector_store_idx %arg6[%sub3A_317, %add3A_15], %broadcast_in_dim3A_4 masked %ge3A_320 : memref<488x128xf32, #tpu.memory_space<vmem>>[vector<16xi32>, vector<16xi32>], vector<16xf32>, vector<16xi1>
      %sub3A_321 = arith.constant 512 : i32
      %sub3A_322 = vector.broadcast %sub3A_321 : i32 to vector<16xi32>
      %sub3A_323 = arith.subi %get3A_167, %sub3A_322 : vector<16xi32>
      %ge3A_324 = arith.constant 512 : i32
      %ge3A_325 = vector.broadcast %ge3A_324 : i32 to vector<16xi32>
      %ge3A_326 = arith.cmpi sge, %get3A_167, %ge3A_325 : vector<16xi32>
      tpu.vector_store_idx %arg6[%sub3A_323, %add3A_18], %broadcast_in_dim3A_4 masked %ge3A_326 : memref<488x128xf32, #tpu.memory_space<vmem>>[vector<16xi32>, vector<16xi32>], vector<16xf32>, vector<16xi1>
      %sub3A_327 = arith.constant 512 : i32
      %sub3A_328 = vector.broadcast %sub3A_327 : i32 to vector<16xi32>
      %sub3A_329 = arith.subi %get3A_173, %sub3A_328 : vector<16xi32>
      %ge3A_330 = arith.constant 512 : i32
      %ge3A_331 = vector.broadcast %ge3A_330 : i32 to vector<16xi32>
      %ge3A_332 = arith.cmpi sge, %get3A_173, %ge3A_331 : vector<16xi32>
      tpu.vector_store_idx %arg6[%sub3A_329, %add3A_21], %broadcast_in_dim3A_4 masked %ge3A_332 : memref<488x128xf32, #tpu.memory_space<vmem>>[vector<16xi32>, vector<16xi32>], vector<16xf32>, vector<16xi1>
      %sub3A_333 = arith.constant 512 : i32
      %sub3A_334 = vector.broadcast %sub3A_333 : i32 to vector<16xi32>
      %sub3A_335 = arith.subi %get3A_179, %sub3A_334 : vector<16xi32>
      %ge3A_336 = arith.constant 512 : i32
      %ge3A_337 = vector.broadcast %ge3A_336 : i32 to vector<16xi32>
      %ge3A_338 = arith.cmpi sge, %get3A_179, %ge3A_337 : vector<16xi32>
      tpu.vector_store_idx %arg6[%sub3A_335, %add3A_24], %broadcast_in_dim3A_4 masked %ge3A_338 : memref<488x128xf32, #tpu.memory_space<vmem>>[vector<16xi32>, vector<16xi32>], vector<16xf32>, vector<16xi1>
      %sub3A_339 = arith.constant 512 : i32
      %sub3A_340 = vector.broadcast %sub3A_339 : i32 to vector<16xi32>
      %sub3A_341 = arith.subi %get3A_185, %sub3A_340 : vector<16xi32>
      %ge3A_342 = arith.constant 512 : i32
      %ge3A_343 = vector.broadcast %ge3A_342 : i32 to vector<16xi32>
      %ge3A_344 = arith.cmpi sge, %get3A_185, %ge3A_343 : vector<16xi32>
      tpu.vector_store_idx %arg6[%sub3A_341, %add3A_27], %broadcast_in_dim3A_4 masked %ge3A_344 : memref<488x128xf32, #tpu.memory_space<vmem>>[vector<16xi32>, vector<16xi32>], vector<16xf32>, vector<16xi1>
      %sub3A_345 = arith.constant 512 : i32
      %sub3A_346 = vector.broadcast %sub3A_345 : i32 to vector<16xi32>
      %sub3A_347 = arith.subi %get3A_191, %sub3A_346 : vector<16xi32>
      %ge3A_348 = arith.constant 512 : i32
      %ge3A_349 = vector.broadcast %ge3A_348 : i32 to vector<16xi32>
      %ge3A_350 = arith.cmpi sge, %get3A_191, %ge3A_349 : vector<16xi32>
      tpu.vector_store_idx %arg6[%sub3A_347, %add3A_30], %broadcast_in_dim3A_4 masked %ge3A_350 : memref<488x128xf32, #tpu.memory_space<vmem>>[vector<16xi32>, vector<16xi32>], vector<16xf32>, vector<16xi1>
      %sub3A_351 = arith.constant 512 : i32
      %sub3A_352 = vector.broadcast %sub3A_351 : i32 to vector<16xi32>
      %sub3A_353 = arith.subi %get3A_197, %sub3A_352 : vector<16xi32>
      %ge3A_354 = arith.constant 512 : i32
      %ge3A_355 = vector.broadcast %ge3A_354 : i32 to vector<16xi32>
      %ge3A_356 = arith.cmpi sge, %get3A_197, %ge3A_355 : vector<16xi32>
      tpu.vector_store_idx %arg6[%sub3A_353, %add3A_33], %broadcast_in_dim3A_4 masked %ge3A_356 : memref<488x128xf32, #tpu.memory_space<vmem>>[vector<16xi32>, vector<16xi32>], vector<16xf32>, vector<16xi1>
      %sub3A_357 = arith.constant 512 : i32
      %sub3A_358 = vector.broadcast %sub3A_357 : i32 to vector<16xi32>
      %sub3A_359 = arith.subi %get3A_203, %sub3A_358 : vector<16xi32>
      %ge3A_360 = arith.constant 512 : i32
      %ge3A_361 = vector.broadcast %ge3A_360 : i32 to vector<16xi32>
      %ge3A_362 = arith.cmpi sge, %get3A_203, %ge3A_361 : vector<16xi32>
      tpu.vector_store_idx %arg6[%sub3A_359, %add3A_36], %broadcast_in_dim3A_4 masked %ge3A_362 : memref<488x128xf32, #tpu.memory_space<vmem>>[vector<16xi32>, vector<16xi32>], vector<16xf32>, vector<16xi1>
      %sub3A_363 = arith.constant 512 : i32
      %sub3A_364 = vector.broadcast %sub3A_363 : i32 to vector<16xi32>
      %sub3A_365 = arith.subi %get3A_209, %sub3A_364 : vector<16xi32>
      %ge3A_366 = arith.constant 512 : i32
      %ge3A_367 = vector.broadcast %ge3A_366 : i32 to vector<16xi32>
      %ge3A_368 = arith.cmpi sge, %get3A_209, %ge3A_367 : vector<16xi32>
      tpu.vector_store_idx %arg6[%sub3A_365, %add3A_15], %broadcast_in_dim3A_12 masked %ge3A_368 : memref<488x128xf32, #tpu.memory_space<vmem>>[vector<16xi32>, vector<16xi32>], vector<16xf32>, vector<16xi1>
      %sub3A_369 = arith.constant 512 : i32
      %sub3A_370 = vector.broadcast %sub3A_369 : i32 to vector<16xi32>
      %sub3A_371 = arith.subi %get3A_215, %sub3A_370 : vector<16xi32>
      %ge3A_372 = arith.constant 512 : i32
      %ge3A_373 = vector.broadcast %ge3A_372 : i32 to vector<16xi32>
      %ge3A_374 = arith.cmpi sge, %get3A_215, %ge3A_373 : vector<16xi32>
      tpu.vector_store_idx %arg6[%sub3A_371, %add3A_18], %broadcast_in_dim3A_12 masked %ge3A_374 : memref<488x128xf32, #tpu.memory_space<vmem>>[vector<16xi32>, vector<16xi32>], vector<16xf32>, vector<16xi1>
      %sub3A_375 = arith.constant 512 : i32
      %sub3A_376 = vector.broadcast %sub3A_375 : i32 to vector<16xi32>
      %sub3A_377 = arith.subi %get3A_221, %sub3A_376 : vector<16xi32>
      %ge3A_378 = arith.constant 512 : i32
      %ge3A_379 = vector.broadcast %ge3A_378 : i32 to vector<16xi32>
      %ge3A_380 = arith.cmpi sge, %get3A_221, %ge3A_379 : vector<16xi32>
      tpu.vector_store_idx %arg6[%sub3A_377, %add3A_21], %broadcast_in_dim3A_12 masked %ge3A_380 : memref<488x128xf32, #tpu.memory_space<vmem>>[vector<16xi32>, vector<16xi32>], vector<16xf32>, vector<16xi1>
      %sub3A_381 = arith.constant 512 : i32
      %sub3A_382 = vector.broadcast %sub3A_381 : i32 to vector<16xi32>
      %sub3A_383 = arith.subi %get3A_227, %sub3A_382 : vector<16xi32>
      %ge3A_384 = arith.constant 512 : i32
      %ge3A_385 = vector.broadcast %ge3A_384 : i32 to vector<16xi32>
      %ge3A_386 = arith.cmpi sge, %get3A_227, %ge3A_385 : vector<16xi32>
      tpu.vector_store_idx %arg6[%sub3A_383, %add3A_24], %broadcast_in_dim3A_12 masked %ge3A_386 : memref<488x128xf32, #tpu.memory_space<vmem>>[vector<16xi32>, vector<16xi32>], vector<16xf32>, vector<16xi1>
      %sub3A_387 = arith.constant 512 : i32
      %sub3A_388 = vector.broadcast %sub3A_387 : i32 to vector<16xi32>
      %sub3A_389 = arith.subi %get3A_233, %sub3A_388 : vector<16xi32>
      %ge3A_390 = arith.constant 512 : i32
      %ge3A_391 = vector.broadcast %ge3A_390 : i32 to vector<16xi32>
      %ge3A_392 = arith.cmpi sge, %get3A_233, %ge3A_391 : vector<16xi32>
      tpu.vector_store_idx %arg6[%sub3A_389, %add3A_27], %broadcast_in_dim3A_12 masked %ge3A_392 : memref<488x128xf32, #tpu.memory_space<vmem>>[vector<16xi32>, vector<16xi32>], vector<16xf32>, vector<16xi1>
      %sub3A_393 = arith.constant 512 : i32
      %sub3A_394 = vector.broadcast %sub3A_393 : i32 to vector<16xi32>
      %sub3A_395 = arith.subi %get3A_239, %sub3A_394 : vector<16xi32>
      %ge3A_396 = arith.constant 512 : i32
      %ge3A_397 = vector.broadcast %ge3A_396 : i32 to vector<16xi32>
      %ge3A_398 = arith.cmpi sge, %get3A_239, %ge3A_397 : vector<16xi32>
      tpu.vector_store_idx %arg6[%sub3A_395, %add3A_30], %broadcast_in_dim3A_12 masked %ge3A_398 : memref<488x128xf32, #tpu.memory_space<vmem>>[vector<16xi32>, vector<16xi32>], vector<16xf32>, vector<16xi1>
      %sub3A_399 = arith.constant 512 : i32
      %sub3A_400 = vector.broadcast %sub3A_399 : i32 to vector<16xi32>
      %sub3A_401 = arith.subi %get3A_245, %sub3A_400 : vector<16xi32>
      %ge3A_402 = arith.constant 512 : i32
      %ge3A_403 = vector.broadcast %ge3A_402 : i32 to vector<16xi32>
      %ge3A_404 = arith.cmpi sge, %get3A_245, %ge3A_403 : vector<16xi32>
      tpu.vector_store_idx %arg6[%sub3A_401, %add3A_33], %broadcast_in_dim3A_12 masked %ge3A_404 : memref<488x128xf32, #tpu.memory_space<vmem>>[vector<16xi32>, vector<16xi32>], vector<16xf32>, vector<16xi1>
      %sub3A_405 = arith.constant 512 : i32
      %sub3A_406 = vector.broadcast %sub3A_405 : i32 to vector<16xi32>
      %sub3A_407 = arith.subi %get3A_251, %sub3A_406 : vector<16xi32>
      %ge3A_408 = arith.constant 512 : i32
      %ge3A_409 = vector.broadcast %ge3A_408 : i32 to vector<16xi32>
      %ge3A_410 = arith.cmpi sge, %get3A_251, %ge3A_409 : vector<16xi32>
      tpu.vector_store_idx %arg6[%sub3A_407, %add3A_36], %broadcast_in_dim3A_12 masked %ge3A_410 : memref<488x128xf32, #tpu.memory_space<vmem>>[vector<16xi32>, vector<16xi32>], vector<16xf32>, vector<16xi1>
      %mul3A_411 = arith.constant 128 : i32
      %mul3A_412 = arith.muli %scan3A_153, %mul3A_411 : i32
      %add3A_413 = arith.addi %mul3A_2, %mul3A_412 : i32
      %dma_start3A_414 = arith.constant 512 : i32
      %dma_start3A_415 = tpu.memref_slice %arg3[%dma_start3A_414, %add3A_413] : memref<1000x16384xf32, #tpu.memory_space<hbm>> -> memref<488x128xf32, #tpu.memory_space<hbm>>
      %dma_start3A_416 = arith.constant 512 : i32
      %dma_start3A_417 = tpu.memref_slice %arg3[%dma_start3A_416, %add3A_413] : memref<1000x16384xf32, #tpu.memory_space<hbm>> -> memref<488x128xf32, #tpu.memory_space<hbm>>
      tpu.enqueue_dma source(%arg6 : memref<488x128xf32, #tpu.memory_space<vmem>>) target(%dma_start3A_417 : memref<488x128xf32, #tpu.memory_space<hbm>>) target_semaphore(%arg9 : memref<!tpu.dma_semaphore, #tpu.memory_space<semaphore_mem>>)
    }
    %scan3A_144 = arith.constant 3 : i32
    %dma_wait3A_145 = arith.constant 0 : i32
    %dma_wait3A_146 = tpu.memref_slice %arg3[%dma_wait3A_145, %mul3A_2] : memref<1000x16384xf32, #tpu.memory_space<hbm>> -> memref<512x128xf32, #tpu.memory_space<hbm>>
    %dma_wait3A_147 = arith.constant 0 : i32
    %dma_wait3A_148 = tpu.memref_slice %arg3[%dma_wait3A_147, %mul3A_2] : memref<1000x16384xf32, #tpu.memory_space<hbm>> -> memref<512x128xf32, #tpu.memory_space<hbm>>
    tpu.wait_dma2 semaphore(%arg8 : memref<!tpu.dma_semaphore, #tpu.memory_space<semaphore_mem>>) src(%arg5 : memref<512x128xf32, #tpu.memory_space<vmem>>) dst(%dma_wait3A_148 : memref<512x128xf32, #tpu.memory_space<hbm>>)
    %dma_wait3A_149 = arith.constant 512 : i32
    %dma_wait3A_150 = tpu.memref_slice %arg3[%dma_wait3A_149, %mul3A_2] : memref<1000x16384xf32, #tpu.memory_space<hbm>> -> memref<488x128xf32, #tpu.memory_space<hbm>>
    %dma_wait3A_151 = arith.constant 512 : i32
    %dma_wait3A_152 = tpu.memref_slice %arg3[%dma_wait3A_151, %mul3A_2] : memref<1000x16384xf32, #tpu.memory_space<hbm>> -> memref<488x128xf32, #tpu.memory_space<hbm>>
    tpu.wait_dma2 semaphore(%arg9 : memref<!tpu.dma_semaphore, #tpu.memory_space<semaphore_mem>>) src(%arg6 : memref<488x128xf32, #tpu.memory_space<vmem>>) dst(%dma_wait3A_152 : memref<488x128xf32, #tpu.memory_space<hbm>>)
    return
  }
}

</mosaic_0001>

<sc_bundles>
// kernel: kernel.3.cloned.1.call-start
scs
__scs_entry_jumppad:
0x0: {  	(pc) =	sbr.rel $0x88, $3  }
0x1: {  	(tag) =	ssettag $0x0;
	lr =	simm.s32 $0x1  }
0x2: {  	[smem:$0x3FA0] =	sst lr;
	_ =	strace $0xD0000000  }
0x3: {  	_ = 	snop  }
0x4: {  	_ = 	snop  }
0x5: {  	_ = 	snop  }
0x6: {  	_ = 	snop  }
0x7: {  	_ = 	snop  }
__scs_overlays_trampoline_lowered:
0x8: {  	[smem:$0x3FAF] =	sst s0  }
0x9: {  	[smem:$0x3FB0] =	sst s1  }
0xa: {  	[smem:$0x3FB1] =	sst s2  }
0xb: {  	[smem:$0x3FB2] =	sst s3  }
0xc: {  	[smem:$0x3FB3] =	sst s4  }
0xd: {  	[smem:$0x3FB4] =	sst s5  }
0xe: {  	[smem:$0x3FB5] =	sst s6  }
0xf: {  	[smem:$0x3FB6] =	sst s7  }
0x10: {  	[smem:$0x3FB7] =	sst s8  }
0x11: {  	[smem:$0x3FB8] =	sst s9;
	s0 =	simm.s32 @!p0 $0x0  }
0x12: {  	s1 =	sld [smem:$0x3F9E];
	s0 =	simm.s32 @p0 $0x1  }
0x13: {  	[smem:$0x3FB9] =	sst s0;
	s0 =	simm.s32 @!p1 $0x0  }
0x14: {  	s2 =	sld [smem:$0x3F9D];
	s0 =	simm.s32 @p1 $0x1  }
0x15: {  	[smem:$0x3FBA] =	sst s0;
	s0 =	simm.s32 @!p2 $0x0  }
0x16: {  	s3 =	sld [smem:$0x3FDB];
	s0 =	simm.s32 @p2 $0x1  }
0x17: {  	s4 =	simm.s32 $0x1BF5;
	[smem:$0x3FBC] =	sst s0  }
0x18: {  	s0 =	sld [smem:$0x3F9F];
	_ =	swait.ge [sflag:s4], $0x0  }
0x19: {  	s7 =	sld [smem:$0x3FA0]  }
0x1a: {  	s8 =	sadd.s32 $0xFFFFE003, lr  }
0x1b: {  	s9 =	sadd.s32 $0xFFFFFEF7, lr;
	s5 =	simm.s32 $0xFFFFFFFF;
	p2 =	slt.u32 s8, $0xFFFFF086  }
0x1c: {  	p1 =	slt.u32 s9, $0xF7A;
	s5 =	simm.s32 @!p2 $0x0  }
0x1d: {  	s5 =	simm.s32 @p1 $0x1;
	p0 =	seq.s32 s7, s2  }
0x1e: {  	s7 =	smul.u32 @!p0 $0xF7A, s2;
	p2 =	seq.s32 @!p0 s5, $0x0  }
0x1f: {  	s9 =	smul.u32 $0xF7A, s1;
	s8 =	simm.s32 @!p0 $0x1BF5;
	p2 =	por !p2, p0  }
0x20: {  	[sflag:s8] =	ssyncset.s32 @!p0 $0xFFFFF086;
	s6 =	sadd.s32 @!p0 s3, s7;
	s7 =	simm.s32 @!p0 $0x108  }
0x21: {  	s3 =	sadd.s32 s3, s9;
	s6 =	sadd.s32 @!p0 $0x88, s6;
	s7 =	simm.s32 @p2 $0x1082  }
0x22: {  	[simem:s7], [sflag:s8] =	dma.local @!p0 [hbm:s6], $0xF7A  }
0x23: {  	s9 =	sor.u32 $0xD0000000, s2;
	s6 =	simm.s32 $0x108;
	_ =	swait.ge @!p0 [sflag:s8], $0x0  }
0x24: {  	s3 =	sadd.s32 $0x88, s3;
	s6 =	simm.s32 @!p1 $0x1082;
	[sflag:s4] =	ssyncset.s32 $0xFFFFF086  }
0x25: {  	[simem:s6], [sflag:s4] =	dma.local [hbm:s3], $0xF7A  }
0x26: {  	[smem:$0x3FA0] =	sst s1;
	(tag) =	ssettag s2;
	_ =	strace s9  }
0x27: {  	s1 =	sld [smem:$0x3FB0]  }
0x28: {  	s2 =	sld [smem:$0x3FB1]  }
0x29: {  	s4 =	sld [smem:$0x3FB3]  }
0x2a: {  	p0 =	seq.s32 s5, $0x0;
	s5 =	sld [smem:$0x3FB4]  }
0x2b: {  	s6 =	sld [smem:$0x3FB5]  }
0x2c: {  	s7 =	sld [smem:$0x3FB6]  }
0x2d: {  	s3 =	simm.s32 $0x108;
	s8 =	sld [smem:$0x3FB7]  }
0x2e: {  	s3 =	simm.s32 @!p0 $0x1082;
	s9 =	sld [smem:$0x3FB8]  }
0x2f: {  	lr =	sadd.s32 s0, s3;
	s0 =	sld [smem:$0x3FAF]  }
0x30: {  	s3 =	sld [smem:$0x3FB2]  }
0x31: {  	[smem:$0x3FBB] =	sst s10  }
0x32: {  	s10 =	sld [smem:$0x3FB9];
	_ =	sdelay $0x3  }
0x33: {  	p0 =	seq.s32 s10, $0x1;
	s10 =	sld [smem:$0x3FBB];
	_ =	sdelay $0x3  }
0x34: {  	[smem:$0x3FBB] =	sst s10  }
0x35: {  	s10 =	sld [smem:$0x3FBA];
	_ =	sdelay $0x3  }
0x36: {  	p1 =	seq.s32 s10, $0x1;
	s10 =	sld [smem:$0x3FBB];
	_ =	sdelay $0x3  }
0x37: {  	[smem:$0x3FBB] =	sst s10  }
0x38: {  	s10 =	sld [smem:$0x3FBC]  }
0x39: {  	_ = 	snop;
	(pc) =	sbr.ind lr, $3  }
0x3a: {  	_ = 	snop  }
0x3b: {  	_ = 	snop  }
0x3c: {  	p2 =	seq.s32 s10, $0x1;
	s10 =	sld [smem:$0x3FBB]  }
0x3d: {  	_ =	shalt  }
0x3e: {  	_ =	shalt  }
0x3f: {  	_ =	shalt  }
0x40: {  	_ =	shalt  }
0x41: {  	_ =	shalt  }
0x42: {  	_ =	shalt  }
0x43: {  	_ =	shalt  }
0x44: {  	_ =	shalt  }
0x45: {  	_ =	shalt  }
0x46: {  	_ =	shalt  }
0x47: {  	_ =	shalt  }
0x48: {  	_ =	shalt  }
0x49: {  	_ =	shalt  }
0x4a: {  	_ =	shalt  }
0x4b: {  	_ =	shalt  }
0x4c: {  	_ =	shalt  }
0x4d: {  	_ =	shalt  }
0x4e: {  	_ =	shalt  }
0x4f: {  	_ =	shalt  }
0x50: {  	_ =	shalt  }
0x51: {  	_ =	shalt  }
0x52: {  	_ =	shalt  }
0x53: {  	_ =	shalt  }
0x54: {  	_ =	shalt  }
0x55: {  	_ =	shalt  }
0x56: {  	_ =	shalt  }
0x57: {  	_ =	shalt  }
0x58: {  	_ =	shalt  }
0x59: {  	_ =	shalt  }
0x5a: {  	_ =	shalt  }
0x5b: {  	_ =	shalt  }
0x5c: {  	_ =	shalt  }
0x5d: {  	_ =	shalt  }
0x5e: {  	_ =	shalt  }
0x5f: {  	_ =	shalt  }
0x60: {  	_ =	shalt  }
0x61: {  	_ =	shalt  }
0x62: {  	_ =	shalt  }
0x63: {  	_ =	shalt  }
0x64: {  	_ =	shalt  }
0x65: {  	_ =	shalt  }
0x66: {  	_ =	shalt  }
0x67: {  	_ =	shalt  }
0x68: {  	_ =	shalt  }
0x69: {  	_ =	shalt  }
0x6a: {  	_ =	shalt  }
0x6b: {  	_ =	shalt  }
0x6c: {  	_ =	shalt  }
0x6d: {  	_ =	shalt  }
0x6e: {  	_ =	shalt  }
0x6f: {  	_ =	shalt  }
0x70: {  	_ =	shalt  }
0x71: {  	_ =	shalt  }
0x72: {  	_ =	shalt  }
0x73: {  	_ =	shalt  }
0x74: {  	_ =	shalt  }
0x75: {  	_ =	shalt  }
0x76: {  	_ =	shalt  }
0x77: {  	_ =	shalt  }
0x78: {  	_ =	shalt  }
0x79: {  	_ =	shalt  }
0x7a: {  	_ =	shalt  }
0x7b: {  	_ =	shalt  }
0x7c: {  	_ =	shalt  }
0x7d: {  	_ =	shalt  }
0x7e: {  	_ =	shalt  }
0x7f: {  	_ =	shalt  }
0x80: {  	_ =	shalt  }
0x81: {  	_ =	shalt  }
0x82: {  	_ =	shalt  }
0x83: {  	_ =	shalt  }
0x84: {  	_ =	shalt  }
0x85: {  	_ =	shalt  }
0x86: {  	_ =	shalt  }
0x87: {  	_ =	shalt  }
.Lfunc_end0:
.L_simem_size_0:
called_computation_lowered:
.L_overlay_start_0:
0x88: {  	s2 =	sld [smem:$0x3FD9]  }
0x89: {  	s3 =	sld [smem:$0x3FFE];
	_ =	sdelay $0x1  }
0x8a: {  	s1 =	srdreg.scid  }
0x8b: {  	s0 =	sand.u32 $0x1, s1  }
0x8c: {  	s18 =	sshll.u32 s0, $0xA;
	s2 =	sadd.s32 s3, s2  }
0x8d: {  	s2 =	sadd.s32 s2, s18  }
0x8e: {  	[smem:$0x3FC7] =	sst s2  }
0x8f: {  	_ = 	snop  }
0x90: {  	s2 =	sld [smem:$0x3FC9]  }
0x91: {  	s19 =	sld [smem:$0x3FD0];
	(tm) =	ssettm $0x1  }
0x92: {  	s4 =	sld [smem:$0x3FFB];
	_ =	sdelay $0x3  }
0x93: {  	_ =	strace s4  }
0x94: {  	s4 =	sld [smem:$0x3FFC];
	_ =	sdelay $0x3  }
0x95: {  	_ =	strace s4  }
0x96: {  	s4 =	sld [smem:$0x3FFD];
	_ =	sdelay $0x3  }
0x97: {  	_ =	strace s4  }
0x98: {  	_ =	strace $0x8FFFFFFF  }
0x99: {  	s20 =	sld [smem:$0x3FDB];
	_ =	sdelay $0x1  }
0x9a: {  	s5 =	simm.s32 $_scs_section_size  }
0x9b: {  	s6 =	simm.s32 $_size__tile_overlayer_lowered;
	s7 =	simm.s32 $_tile_overlayer_lowered  }
0x9c: {  	s23 =	simm.s32 $0x1BFF;
	s22 =	sshll.u32 s7, $0x1;
	s4 =	sadd.s32 s5, s20  }
0x9d: {  	s8 =	simm.s32 $0x0;
	s21 =	sshll.u32 s6, $0x1;
	s6 =	sadd.s32 s22, s4  }
0x9e: {  	[timem:s8], [sflag:s23] =	dma.local [hbm:s6], s21  }
0x9f: {  	_ =	swait.ge [sflag:s23], s21  }
0xa0: {  	s5 =	ssub.s32 $0x0, s21;
	[sflag:s23] =	ssyncset.done $0x0  }
0xa1: {  	[sflag:s23] =	ssyncadd.s32 s5;
	_ =	sdelay $0x1  }
0xa2: {  	s24 =	simm.s32 $0x1B8B  }
0xa3: {  	_ =	swait.ge [sflag:s24], $0x1  }
0xa4: {  	[sflag:s24] =	ssyncset.done $0x0  }
0xa5: {  	s25 =	simm.s32 $0x1B8E;
	[sflag:s24] =	ssyncadd.s32 $0xFFFFFFFF  }
0xa6: {  	s26 =	simm.s32 $execute0_lowered;
	[smem:$0x3FD2] =	sst s25  }
0xa7: {  	s5 =	sshll.u32 s26, $0x1;
	_ =	strace $0x80000046;
	[dreg:$0x1] =	wrdreg $0xFFFFFFFF  }
0xa8: {  	s28 =	simm.s32 $_size_execute0_lowered;
	s4 =	sadd.s32 s4, s5;
	[dreg:$0x0] =	wrdreg $0x0  }
0xa9: {  	s5 =	sshll.u32 s28, $0x1;
	[dreg:$0x2] =	wrdreg s4  }
0xaa: {  	[dreg:$0x3] =	wrdreg s5  }
0xab: {  	[dreg:$0x4] =	wrdreg $0xC0  }
0xac: {  	_ =	task [dreg:s8], $0x5FFFF  }
0xad: {  	[dreg:$0x1] =	wrdreg $0xFFFFFFFF  }
0xae: {  	[dreg:$0x0] =	wrdreg $0x60  }
0xaf: {  	[dreg:$0x2] =	wrdreg s2  }
0xb0: {  	[dreg:$0x3] =	wrdreg s19  }
0xb1: {  	[dreg:$0x4] =	wrdreg $0x9  }
0xb2: {  	_ =	task.clear_ibuf [dreg:s8], $0x5FFFF;
	_ =	strace $0x90000046  }
0xb3: {  	s29 =	simm.s32 $0x9;
	_ =	strace $0x80000048  }
0xb4: {  	_ =	swait.ge [sflag:s29], $0x1  }
0xb5: {  	[sflag:s29] =	ssyncadd.s32 $0xFFFFFFFF  }
0xb6: {  	_ =	strace $0x90000048  }
0xb7: {  	_ =	sfence  }
0xb8: {  	s30 =	sld [smem:$0x0];
	_ =	sdelay $0x2  }
0xb9: {  	s31 =	sshll.u32 s1, $0xD;
	s1 =	sshrl.u32 s1, $0x2  }
0xba: {  	s3 =	sand.u32 $0x4000, s31;
	s1 =	sadd.s32 s1, s30  }
0xbb: {  	s0 =	sor.u32 s3, s0;
	s1 =	sshll.u32 s1, $0x11  }
0xbc: {  	s0 =	sor.u32 s1, s0  }
0xbd: {  	s0 =	sadd.s32 $0x8F2B, s0  }
0xbe: {  	[sflag:s0] =	ssyncadd.remote.s32 $0x1  }
0xbf: {  	_ =	sfence.sel $0xFFFF  }
0xc0: {  	[dreg:$0x0] =	wrdreg $0xFFFFFFFF;
	(pc) =	sbr.abs _section_cstart, $3  }
0xc1: {  	[dreg:$0x1] =	wrdreg $0xFFFFFFFF  }
0xc2: {  	_ =	task.clear_ibuf [dreg:s8], $0x2FFFF;
	_ =	strace $0x9FFFFFFF  }
0xc3: {  	(tm) =	ssettm $0x7FFFFFFF  }
tec
execute0_lowered:
.L_overlay_start_1:
0x0: {  	(tag) =	ssettag $0x1  }
0x1: {  	s3 =	rddreg [dreg:$0x0]  }
0x2: {  	s7 =	rddreg [dreg:$0x1];
	s2 =	srdreg.scid  }
0x3: {  	s0 =	rddreg [dreg:$0x2];
	s1 =	stileid.u32;
	s11 =	simm.s32 $0x20000  }
0x4: {  	s12 =	simm.s32 $0x10200;
	s13 =	simm.s32 $0x2;
	s14 =	simm.s32 $0x3  }
0x5: {  	s15 =	simm.s32 $0x0;
	s4 =	sand.u32 $0x1, s2;
	s2 =	simm.s32 $0x0  }
0x6: {  	v0 =	vimm.f32 $0.0e+00;
	v1 =	vlaneseq.u32;
	v2 =	vimm.f32 $1.000000000e+00;
	s8 =	sshll.u32 s1, $0xA;
	s9 =	sshll.u32 s4, $0x9;
	s4 =	ssub.s32 $0x2, s4  }
0x7: {  	v3 =	vor.u32 $0x10, v1;
	v4 =	vor.u32 $0x20, v1;
	v5 =	vor.u32 $0x30, v1;
	[smem:$0x7FF] =	sst s2;
	s5 =	sor.u32 s9, s8;
	s6 =	sshrl.u32 s4, $0x1  }
0x8: {  	v6 =	vor.u32 $0x40, v1;
	v7 =	vor.u32 $0x50, v1;
	v8 =	vor.u32 $0x60, v1;
	_ =	strace $0x80000047;
	s10 =	sshrl.u32 s5, $0x3;
	s6 =	ssub.s32 s4, s6  }
0x9: {  	v9 =	vor.u32 $0x70, v1;
	v10 =	vor.u32 $0xFFFF0000, v1;
	v11 =	vor.u32 $0xFFFF0010, v1;
	s4 =	sadd.s32 s7, s5;
	s7 =	sadd.s32 s8, s7;
	s8 =	simm.s32 $0x1  }
0xa: {  	v12 =	vor.u32 $0xFFFF0020, v1;
	v13 =	vor.u32 $0xFFFF0030, v1;
	v14 =	vor.u32 $0xFFFF0040, v1;
	s3 =	sadd.s32 s3, s10;
	s5 =	sadd.s32 $0x100000, s4;
	s6 =	smax.u32 s6, $0x1  }
0xb: {  	v15 =	vor.u32 $0xFFFF0050, v1;
	v16 =	vor.u32 $0xFFFF0060, v1;
	v17 =	vor.u32 $0xFFFF0070, v1;
	s7 =	sadd.s32 s9, s7;
	s9 =	simm.s32 $0x200;
	s10 =	simm.s32 $0x400  }
.LBB2_1:
0xc: {  	[tilespmem:s2], [sflag:$0x1] =	stream.linear.gather [hbm4b:s3+s2], $0x200, $0x38;
	[tilespmem:$0x1F600] =	vst v63  }
0xd: {  	s16 =	simm.s32 $0x0;
	s17 =	simm.s32 $0x1000  }
.LBB2_2:
0xe: {  	p0 =	sne.s32 s17, $0x3F000;
	[tilespmem:s16+$0x5F0] =	vst v0  }
0xf: {  	[tilespmem:s16+$0x200] =	vst v0  }
0x10: {  	[tilespmem:s16+$0x210] =	vst v0  }
0x11: {  	[tilespmem:s16+$0x220] =	vst v0  }
0x12: {  	[tilespmem:s16+$0x230] =	vst v0  }
0x13: {  	[tilespmem:s16+$0x240] =	vst v0  }
0x14: {  	[tilespmem:s16+$0x250] =	vst v0  }
0x15: {  	[tilespmem:s16+$0x260] =	vst v0  }
0x16: {  	[tilespmem:s16+$0x270] =	vst v0  }
0x17: {  	[tilespmem:s16+$0x280] =	vst v0  }
0x18: {  	[tilespmem:s16+$0x290] =	vst v0  }
0x19: {  	[tilespmem:s16+$0x2A0] =	vst v0  }
0x1a: {  	[tilespmem:s16+$0x2B0] =	vst v0  }
0x1b: {  	[tilespmem:s16+$0x2C0] =	vst v0  }
0x1c: {  	[tilespmem:s16+$0x2D0] =	vst v0  }
0x1d: {  	[tilespmem:s16+$0x2E0] =	vst v0  }
0x1e: {  	[tilespmem:s16+$0x2F0] =	vst v0  }
0x1f: {  	[tilespmem:s16+$0x300] =	vst v0  }
0x20: {  	[tilespmem:s16+$0x310] =	vst v0  }
0x21: {  	[tilespmem:s16+$0x320] =	vst v0  }
0x22: {  	[tilespmem:s16+$0x330] =	vst v0  }
0x23: {  	[tilespmem:s16+$0x340] =	vst v0  }
0x24: {  	[tilespmem:s16+$0x350] =	vst v0  }
0x25: {  	[tilespmem:s16+$0x360] =	vst v0  }
0x26: {  	[tilespmem:s16+$0x370] =	vst v0  }
0x27: {  	[tilespmem:s16+$0x380] =	vst v0  }
0x28: {  	[tilespmem:s16+$0x390] =	vst v0  }
0x29: {  	[tilespmem:s16+$0x3A0] =	vst v0  }
0x2a: {  	[tilespmem:s16+$0x3B0] =	vst v0  }
0x2b: {  	[tilespmem:s16+$0x3C0] =	vst v0  }
0x2c: {  	[tilespmem:s16+$0x3D0] =	vst v0  }
0x2d: {  	[tilespmem:s16+$0x3E0] =	vst v0  }
0x2e: {  	[tilespmem:s16+$0x3F0] =	vst v0  }
0x2f: {  	[tilespmem:s16+$0x400] =	vst v0  }
0x30: {  	[tilespmem:s16+$0x410] =	vst v0  }
0x31: {  	[tilespmem:s16+$0x420] =	vst v0  }
0x32: {  	[tilespmem:s16+$0x430] =	vst v0  }
0x33: {  	[tilespmem:s16+$0x440] =	vst v0  }
0x34: {  	[tilespmem:s16+$0x450] =	vst v0  }
0x35: {  	[tilespmem:s16+$0x460] =	vst v0  }
0x36: {  	[tilespmem:s16+$0x470] =	vst v0  }
0x37: {  	[tilespmem:s16+$0x480] =	vst v0  }
0x38: {  	[tilespmem:s16+$0x490] =	vst v0  }
0x39: {  	[tilespmem:s16+$0x4A0] =	vst v0  }
0x3a: {  	[tilespmem:s16+$0x4B0] =	vst v0  }
0x3b: {  	[tilespmem:s16+$0x4C0] =	vst v0  }
0x3c: {  	[tilespmem:s16+$0x4D0] =	vst v0  }
0x3d: {  	[tilespmem:s16+$0x4E0] =	vst v0  }
0x3e: {  	[tilespmem:s16+$0x4F0] =	vst v0  }
0x3f: {  	[tilespmem:s16+$0x500] =	vst v0  }
0x40: {  	[tilespmem:s16+$0x510] =	vst v0  }
0x41: {  	[tilespmem:s16+$0x520] =	vst v0  }
0x42: {  	[tilespmem:s16+$0x530] =	vst v0  }
0x43: {  	[tilespmem:s16+$0x540] =	vst v0  }
0x44: {  	[tilespmem:s16+$0x550] =	vst v0  }
0x45: {  	[tilespmem:s16+$0x560] =	vst v0  }
0x46: {  	[tilespmem:s16+$0x570] =	vst v0  }
0x47: {  	[tilespmem:s16+$0x580] =	vst v0  }
0x48: {  	[tilespmem:s16+$0x590] =	vst v0  }
.Ltmp0:
0x49: {  	[tilespmem:s16+$0x5A0] =	vst v0;
	(pc) =	sbr.rel @p0 .LBB2_2-.Ltmp0, $4  }
0x4a: {  	[tilespmem:s16+$0x5B0] =	vst v0  }
0x4b: {  	[tilespmem:s16+$0x5C0] =	vst v0  }
0x4c: {  	[tilespmem:s16+$0x5D0] =	vst v0  }
0x4d: {  	[tilespmem:s16+$0x5E0] =	vst v0;
	s16 =	sshra.s32 s17, $0x2;
	s17 =	sadd.s32 $0x1000, s17  }
0x4e: {  	[tilespmem:s16+$0x5F0] =	vst v0  }
0x4f: {  	[tilespmem:s16+$0x200] =	vst v0  }
0x50: {  	[tilespmem:s16+$0x210] =	vst v0  }
0x51: {  	[tilespmem:s16+$0x220] =	vst v0  }
0x52: {  	[tilespmem:s16+$0x230] =	vst v0  }
0x53: {  	[tilespmem:s16+$0x240] =	vst v0  }
0x54: {  	[tilespmem:s16+$0x250] =	vst v0  }
0x55: {  	[tilespmem:s16+$0x260] =	vst v0  }
0x56: {  	[tilespmem:s16+$0x270] =	vst v0  }
0x57: {  	[tilespmem:s16+$0x280] =	vst v0  }
0x58: {  	[tilespmem:s16+$0x290] =	vst v0  }
0x59: {  	[tilespmem:s16+$0x2A0] =	vst v0  }
0x5a: {  	[tilespmem:s16+$0x2B0] =	vst v0  }
0x5b: {  	[tilespmem:s16+$0x2C0] =	vst v0  }
0x5c: {  	[tilespmem:s16+$0x2D0] =	vst v0  }
0x5d: {  	[tilespmem:s16+$0x2E0] =	vst v0  }
0x5e: {  	[tilespmem:s16+$0x2F0] =	vst v0  }
0x5f: {  	[tilespmem:s16+$0x300] =	vst v0  }
0x60: {  	[tilespmem:s16+$0x310] =	vst v0  }
0x61: {  	[tilespmem:s16+$0x320] =	vst v0  }
0x62: {  	[tilespmem:s16+$0x330] =	vst v0  }
0x63: {  	[tilespmem:s16+$0x340] =	vst v0  }
0x64: {  	[tilespmem:s16+$0x350] =	vst v0  }
0x65: {  	[tilespmem:s16+$0x360] =	vst v0  }
0x66: {  	[tilespmem:s16+$0x370] =	vst v0  }
0x67: {  	[tilespmem:s16+$0x380] =	vst v0  }
0x68: {  	[tilespmem:s16+$0x390] =	vst v0  }
0x69: {  	[tilespmem:s16+$0x3A0] =	vst v0  }
0x6a: {  	[tilespmem:s16+$0x3B0] =	vst v0  }
0x6b: {  	[tilespmem:s16+$0x3C0] =	vst v0  }
0x6c: {  	[tilespmem:s16+$0x3D0] =	vst v0  }
0x6d: {  	[tilespmem:s16+$0x3E0] =	vst v0  }
0x6e: {  	[tilespmem:s16+$0x3F0] =	vst v0  }
0x6f: {  	[tilespmem:s16+$0x400] =	vst v0  }
0x70: {  	[tilespmem:s16+$0x410] =	vst v0  }
0x71: {  	[tilespmem:s16+$0x420] =	vst v0  }
0x72: {  	[tilespmem:s16+$0x430] =	vst v0  }
0x73: {  	[tilespmem:s16+$0x440] =	vst v0  }
0x74: {  	[tilespmem:s16+$0x450] =	vst v0  }
0x75: {  	[tilespmem:s16+$0x460] =	vst v0  }
0x76: {  	[tilespmem:s16+$0x470] =	vst v0  }
0x77: {  	[tilespmem:s16+$0x480] =	vst v0  }
0x78: {  	[tilespmem:s16+$0x490] =	vst v0  }
0x79: {  	[tilespmem:s16+$0x4A0] =	vst v0  }
0x7a: {  	[tilespmem:s16+$0x4B0] =	vst v0  }
0x7b: {  	[tilespmem:s16+$0x4C0] =	vst v0  }
0x7c: {  	[tilespmem:s16+$0x4D0] =	vst v0  }
0x7d: {  	[tilespmem:s16+$0x4E0] =	vst v0  }
0x7e: {  	[tilespmem:s16+$0x4F0] =	vst v0  }
0x7f: {  	[tilespmem:s16+$0x500] =	vst v0  }
0x80: {  	[tilespmem:s16+$0x510] =	vst v0  }
0x81: {  	[tilespmem:s16+$0x520] =	vst v0  }
0x82: {  	[tilespmem:s16+$0x530] =	vst v0  }
0x83: {  	[tilespmem:s16+$0x540] =	vst v0  }
0x84: {  	[tilespmem:s16+$0x550] =	vst v0  }
0x85: {  	[tilespmem:s16+$0x560] =	vst v0  }
0x86: {  	[tilespmem:s16+$0x570] =	vst v0  }
0x87: {  	[tilespmem:s16+$0x580] =	vst v0  }
0x88: {  	[tilespmem:s16+$0x590] =	vst v0  }
0x89: {  	[tilespmem:s16+$0x5A0] =	vst v0  }
0x8a: {  	[tilespmem:s16+$0x5B0] =	vst v0  }
0x8b: {  	[tilespmem:s16+$0x5C0] =	vst v0  }
0x8c: {  	[tilespmem:s16+$0x5D0] =	vst v0  }
0x8d: {  	[tilespmem:s16+$0x5E0] =	vst v0  }
0x8e: {  	_ =	swait.ge [sflag:s8], $0x200  }
0x8f: {  	[sflag:s8] =	ssyncset.done $0x0  }
0x90: {  	[sflag:s8] =	ssyncadd.s32 $0xFFFFFE00  }
0x91: {  	v25 =	vld [tilespmem:$0x0]  }
0x92: {  	v24 =	vld [tilespmem:$0x10]  }
0x93: {  	v23 =	vld [tilespmem:$0x20]  }
0x94: {  	v22 =	vld [tilespmem:$0x30]  }
0x95: {  	v21 =	vld [tilespmem:$0x40]  }
0x96: {  	v18 =	vld [tilespmem:$0x50];
	vm0 =	vlt.s32 v25, $0x200;
	v26 =	vshll.u32 v25, $0x7  }
0x97: {  	v19 =	vld [tilespmem:$0x60];
	vm1 =	vlt.s32 v24, $0x200;
	v27 =	vshll.u32 v24, $0x7;
	v32 =	vor.u32 v1, v26  }
0x98: {  	v20 =	vld [tilespmem:$0x70];
	vm2 =	vlt.s32 v23, $0x200;
	v28 =	vshll.u32 v23, $0x7;
	v33 =	vor.u32 v3, v27  }
0x99: {  	vm3 =	vlt.s32 v22, $0x200;
	v29 =	vshll.u32 v22, $0x7;
	v34 =	vor.u32 v4, v28  }
0x9a: {  	vm4 =	vlt.s32 v21, $0x200;
	v30 =	vshll.u32 v21, $0x7;
	v35 =	vor.u32 v5, v29  }
0x9b: {  	vm5 =	vlt.s32 v18, $0x200;
	v31 =	vshll.u32 v18, $0x7;
	v36 =	vor.u32 v6, v30  }
0x9c: {  	vm14 =	vlt.s32 v19, $0x200;
	v37 =	vor.u32 v7, v31;
	[tilespmem:v32+s9+$0x0] =	vst.idx.msk vm0, v2;
	v32 =	vshll.u32 v19, $0x7  }
0x9d: {  	vm15 =	vlt.s32 v20, $0x200;
	[tilespmem:v33+s9+$0x0] =	vst.idx.msk vm1, v2;
	v38 =	vor.u32 v8, v32;
	v33 =	vshll.u32 v20, $0x7  }
0x9e: {  	[tilespmem:v34+s9+$0x0] =	vst.idx.msk vm2, v2;
	v63 =	vor.u32 v9, v33  }
0x9f: {  	[tilespmem:v35+s9+$0x0] =	vst.idx.msk vm3, v2  }
0xa0: {  	[tilespmem:v36+s9+$0x0] =	vst.idx.msk vm4, v2  }
0xa1: {  	[tilespmem:v37+s9+$0x0] =	vst.idx.msk vm5, v2  }
0xa2: {  	[tilespmem:v38+s9+$0x0] =	vst.idx.msk vm14, v2  }
0xa3: {  	s16 =	simm.s32 $0x0;
	s17 =	simm.s32 $0x1000;
	[tilespmem:v63+s9+$0x0] =	vst.idx.msk vm15, v2  }
0xa4: {  	[hbm4b:s4+s10] =	stream.strided.scatter [tilespmem:s9], [sflag:$0x2], $0x10000, s11, s10, $0x38;
	[tilespmem:$0x1F600] =	vst v63  }
.LBB2_4:
0xa5: {  	p0 =	sne.s32 s17, $0x3C000;
	[tilespmem:s16+$0x105F0] =	vst v0  }
0xa6: {  	[tilespmem:s16+$0x10200] =	vst v0  }
0xa7: {  	[tilespmem:s16+$0x10210] =	vst v0  }
0xa8: {  	[tilespmem:s16+$0x10220] =	vst v0  }
0xa9: {  	[tilespmem:s16+$0x10230] =	vst v0  }
0xaa: {  	[tilespmem:s16+$0x10240] =	vst v0  }
0xab: {  	[tilespmem:s16+$0x10250] =	vst v0  }
0xac: {  	[tilespmem:s16+$0x10260] =	vst v0  }
0xad: {  	[tilespmem:s16+$0x10270] =	vst v0  }
0xae: {  	[tilespmem:s16+$0x10280] =	vst v0  }
0xaf: {  	[tilespmem:s16+$0x10290] =	vst v0  }
0xb0: {  	[tilespmem:s16+$0x102A0] =	vst v0  }
0xb1: {  	[tilespmem:s16+$0x102B0] =	vst v0  }
0xb2: {  	[tilespmem:s16+$0x102C0] =	vst v0  }
0xb3: {  	[tilespmem:s16+$0x102D0] =	vst v0  }
0xb4: {  	[tilespmem:s16+$0x102E0] =	vst v0  }
0xb5: {  	[tilespmem:s16+$0x102F0] =	vst v0  }
0xb6: {  	[tilespmem:s16+$0x10300] =	vst v0  }
0xb7: {  	[tilespmem:s16+$0x10310] =	vst v0  }
0xb8: {  	[tilespmem:s16+$0x10320] =	vst v0  }
0xb9: {  	[tilespmem:s16+$0x10330] =	vst v0  }
0xba: {  	[tilespmem:s16+$0x10340] =	vst v0  }
0xbb: {  	[tilespmem:s16+$0x10350] =	vst v0  }
0xbc: {  	[tilespmem:s16+$0x10360] =	vst v0  }
0xbd: {  	[tilespmem:s16+$0x10370] =	vst v0  }
0xbe: {  	[tilespmem:s16+$0x10380] =	vst v0  }
0xbf: {  	[tilespmem:s16+$0x10390] =	vst v0  }
0xc0: {  	[tilespmem:s16+$0x103A0] =	vst v0  }
0xc1: {  	[tilespmem:s16+$0x103B0] =	vst v0  }
0xc2: {  	[tilespmem:s16+$0x103C0] =	vst v0  }
0xc3: {  	[tilespmem:s16+$0x103D0] =	vst v0  }
0xc4: {  	[tilespmem:s16+$0x103E0] =	vst v0  }
0xc5: {  	[tilespmem:s16+$0x103F0] =	vst v0  }
0xc6: {  	[tilespmem:s16+$0x10400] =	vst v0  }
0xc7: {  	[tilespmem:s16+$0x10410] =	vst v0  }
0xc8: {  	[tilespmem:s16+$0x10420] =	vst v0  }
0xc9: {  	[tilespmem:s16+$0x10430] =	vst v0  }
0xca: {  	[tilespmem:s16+$0x10440] =	vst v0  }
0xcb: {  	[tilespmem:s16+$0x10450] =	vst v0  }
0xcc: {  	[tilespmem:s16+$0x10460] =	vst v0  }
0xcd: {  	[tilespmem:s16+$0x10470] =	vst v0  }
0xce: {  	[tilespmem:s16+$0x10480] =	vst v0  }
0xcf: {  	[tilespmem:s16+$0x10490] =	vst v0  }
0xd0: {  	[tilespmem:s16+$0x104A0] =	vst v0  }
0xd1: {  	[tilespmem:s16+$0x104B0] =	vst v0  }
0xd2: {  	[tilespmem:s16+$0x104C0] =	vst v0  }
0xd3: {  	[tilespmem:s16+$0x104D0] =	vst v0  }
0xd4: {  	[tilespmem:s16+$0x104E0] =	vst v0  }
0xd5: {  	[tilespmem:s16+$0x104F0] =	vst v0  }
0xd6: {  	[tilespmem:s16+$0x10500] =	vst v0  }
0xd7: {  	[tilespmem:s16+$0x10510] =	vst v0  }
0xd8: {  	[tilespmem:s16+$0x10520] =	vst v0  }
0xd9: {  	[tilespmem:s16+$0x10530] =	vst v0  }
0xda: {  	[tilespmem:s16+$0x10540] =	vst v0  }
0xdb: {  	[tilespmem:s16+$0x10550] =	vst v0  }
0xdc: {  	[tilespmem:s16+$0x10560] =	vst v0  }
0xdd: {  	[tilespmem:s16+$0x10570] =	vst v0  }
0xde: {  	[tilespmem:s16+$0x10580] =	vst v0  }
0xdf: {  	[tilespmem:s16+$0x10590] =	vst v0  }
.Ltmp1:
0xe0: {  	[tilespmem:s16+$0x105A0] =	vst v0;
	(pc) =	sbr.rel @p0 .LBB2_4-.Ltmp1, $4  }
0xe1: {  	[tilespmem:s16+$0x105B0] =	vst v0  }
0xe2: {  	[tilespmem:s16+$0x105C0] =	vst v0  }
0xe3: {  	[tilespmem:s16+$0x105D0] =	vst v0  }
0xe4: {  	[tilespmem:s16+$0x105E0] =	vst v0;
	s16 =	sshra.s32 s17, $0x2;
	s17 =	sadd.s32 $0x1000, s17  }
0xe5: {  	[tilespmem:s16+$0x105F0] =	vst v0  }
0xe6: {  	[tilespmem:s16+$0x10200] =	vst v0  }
0xe7: {  	[tilespmem:s16+$0x10210] =	vst v0  }
0xe8: {  	[tilespmem:s16+$0x10220] =	vst v0  }
0xe9: {  	[tilespmem:s16+$0x10230] =	vst v0  }
0xea: {  	[tilespmem:s16+$0x10240] =	vst v0  }
0xeb: {  	[tilespmem:s16+$0x10250] =	vst v0  }
0xec: {  	[tilespmem:s16+$0x10260] =	vst v0  }
0xed: {  	[tilespmem:s16+$0x10270] =	vst v0  }
0xee: {  	[tilespmem:s16+$0x10280] =	vst v0  }
0xef: {  	[tilespmem:s16+$0x10290] =	vst v0  }
0xf0: {  	[tilespmem:s16+$0x102A0] =	vst v0  }
0xf1: {  	[tilespmem:s16+$0x102B0] =	vst v0  }
0xf2: {  	[tilespmem:s16+$0x102C0] =	vst v0  }
0xf3: {  	[tilespmem:s16+$0x102D0] =	vst v0  }
0xf4: {  	[tilespmem:s16+$0x102E0] =	vst v0  }
0xf5: {  	[tilespmem:s16+$0x102F0] =	vst v0  }
0xf6: {  	[tilespmem:s16+$0x10300] =	vst v0  }
0xf7: {  	[tilespmem:s16+$0x10310] =	vst v0  }
0xf8: {  	[tilespmem:s16+$0x10320] =	vst v0  }
0xf9: {  	[tilespmem:s16+$0x10330] =	vst v0  }
0xfa: {  	[tilespmem:s16+$0x10340] =	vst v0  }
0xfb: {  	[tilespmem:s16+$0x10350] =	vst v0  }
0xfc: {  	[tilespmem:s16+$0x10360] =	vst v0  }
0xfd: {  	[tilespmem:s16+$0x10370] =	vst v0  }
0xfe: {  	[tilespmem:s16+$0x10380] =	vst v0  }
0xff: {  	[tilespmem:s16+$0x10390] =	vst v0  }
0x100: {  	[tilespmem:s16+$0x103A0] =	vst v0  }
0x101: {  	[tilespmem:s16+$0x103B0] =	vst v0  }
0x102: {  	[tilespmem:s16+$0x103C0] =	vst v0  }
0x103: {  	[tilespmem:s16+$0x103D0] =	vst v0  }
0x104: {  	[tilespmem:s16+$0x103E0] =	vst v0  }
0x105: {  	[tilespmem:s16+$0x103F0] =	vst v0  }
0x106: {  	[tilespmem:s16+$0x10400] =	vst v0  }
0x107: {  	[tilespmem:s16+$0x10410] =	vst v0  }
0x108: {  	[tilespmem:s16+$0x10420] =	vst v0  }
0x109: {  	[tilespmem:s16+$0x10430] =	vst v0  }
0x10a: {  	[tilespmem:s16+$0x10440] =	vst v0  }
0x10b: {  	[tilespmem:s16+$0x10450] =	vst v0  }
0x10c: {  	[tilespmem:s16+$0x10460] =	vst v0  }
0x10d: {  	[tilespmem:s16+$0x10470] =	vst v0  }
0x10e: {  	[tilespmem:s16+$0x10480] =	vst v0  }
0x10f: {  	[tilespmem:s16+$0x10490] =	vst v0  }
0x110: {  	[tilespmem:s16+$0x104A0] =	vst v0  }
0x111: {  	[tilespmem:s16+$0x104B0] =	vst v0  }
0x112: {  	[tilespmem:s16+$0x104C0] =	vst v0  }
0x113: {  	[tilespmem:s16+$0x104D0] =	vst v0  }
0x114: {  	[tilespmem:s16+$0x104E0] =	vst v0  }
0x115: {  	[tilespmem:s16+$0x104F0] =	vst v0  }
0x116: {  	[tilespmem:s16+$0x10500] =	vst v0  }
0x117: {  	[tilespmem:s16+$0x10510] =	vst v0  }
0x118: {  	[tilespmem:s16+$0x10520] =	vst v0  }
0x119: {  	[tilespmem:s16+$0x10530] =	vst v0  }
0x11a: {  	[tilespmem:s16+$0x10540] =	vst v0  }
0x11b: {  	[tilespmem:s16+$0x10550] =	vst v0  }
0x11c: {  	[tilespmem:s16+$0x10560] =	vst v0  }
0x11d: {  	[tilespmem:s16+$0x10570] =	vst v0  }
0x11e: {  	[tilespmem:s16+$0x10580] =	vst v0  }
0x11f: {  	[tilespmem:s16+$0x10590] =	vst v0;
	vm0 =	vgt.s32 v25, $0x1FF  }
0x120: {  	[tilespmem:s16+$0x105A0] =	vst v0;
	v47 =	vadd.s32 v10, v26;
	vm1 =	vgt.s32 v24, $0x1FF  }
0x121: {  	[tilespmem:s16+$0x105B0] =	vst v0;
	v48 =	vadd.s32 v11, v27;
	vm2 =	vgt.s32 v23, $0x1FF  }
0x122: {  	[tilespmem:s16+$0x105C0] =	vst v0;
	v49 =	vadd.s32 v12, v28;
	vm3 =	vgt.s32 v22, $0x1FF  }
0x123: {  	[tilespmem:s16+$0x105D0] =	vst v0;
	v50 =	vadd.s32 v13, v29;
	vm4 =	vgt.s32 v21, $0x1FF  }
0x124: {  	[tilespmem:s16+$0x105E0] =	vst v0;
	v51 =	vadd.s32 v14, v30;
	vm5 =	vgt.s32 v18, $0x1FF  }
0x125: {  	v18 =	vadd.s32 v15, v31;
	vm8 =	vgt.s32 v19, $0x1FF;
	[tilespmem:v47+s12+$0x0] =	vst.idx.msk vm0, v2  }
0x126: {  	v19 =	vadd.s32 v16, v32;
	vm9 =	vgt.s32 v20, $0x1FF;
	[tilespmem:v48+s12+$0x0] =	vst.idx.msk vm1, v2  }
0x127: {  	v52 =	vadd.s32 v17, v33;
	[tilespmem:v49+s12+$0x0] =	vst.idx.msk vm2, v2  }
0x128: {  	[tilespmem:v50+s12+$0x0] =	vst.idx.msk vm3, v2  }
0x129: {  	[tilespmem:v51+s12+$0x0] =	vst.idx.msk vm4, v2  }
0x12a: {  	[tilespmem:v18+s12+$0x0] =	vst.idx.msk vm5, v2  }
0x12b: {  	[tilespmem:v19+s12+$0x0] =	vst.idx.msk vm8, v2  }
0x12c: {  	s30 =	simm.s32 $0x80;
	[tilespmem:v52+s12+$0x0] =	vst.idx.msk vm9, v2  }
0x12d: {  	[hbm4b:s5+s10] =	stream.strided.scatter [tilespmem:s12], [sflag:$0x3], $0xF400, s11, s10, $0x38;
	[tilespmem:$0x1F600] =	vst v63  }
0x12e: {  	v18 =	vld [tilespmem:s30+$0x70]  }
0x12f: {  	v19 =	vld [tilespmem:s30+$0x60]  }
0x130: {  	v20 =	vld [tilespmem:s30+$0x50]  }
0x131: {  	v21 =	vld [tilespmem:s30+$0x40]  }
0x132: {  	v22 =	vld [tilespmem:s30+$0x30]  }
0x133: {  	v23 =	vld [tilespmem:s30+$0x20]  }
0x134: {  	v24 =	vld [tilespmem:s30+$0x10]  }
0x135: {  	v26 =	vld [tilespmem:s30+$0xFFFFFF80]  }
0x136: {  	v27 =	vld [tilespmem:s30+$0xFFFFFF90]  }
0x137: {  	v28 =	vld [tilespmem:s30+$0xFFFFFFA0]  }
0x138: {  	v29 =	vld [tilespmem:s30+$0xFFFFFFB0]  }
0x139: {  	v30 =	vld [tilespmem:s30+$0xFFFFFFC0]  }
0x13a: {  	v31 =	vld [tilespmem:s30+$0xFFFFFFD0];
	vm10 =	vlt.s32 v26, $0x200;
	v32 =	vshll.u32 v26, $0x7  }
0x13b: {  	v33 =	vld [tilespmem:s30+$0xFFFFFFE0];
	vm11 =	vlt.s32 v27, $0x200;
	v35 =	vshll.u32 v27, $0x7;
	v34 =	vor.u32 v1, v32  }
0x13c: {  	v36 =	vld [tilespmem:s30+$0xFFFFFFF0];
	vm12 =	vlt.s32 v28, $0x200;
	v38 =	vshll.u32 v28, $0x7;
	v37 =	vor.u32 v3, v35  }
0x13d: {  	v25 =	vld [tilespmem:s30+$0x0];
	_ =	swait.ge [sflag:s13], $0x10000;
	vm13 =	vlt.s32 v29, $0x200;
	v40 =	vshll.u32 v29, $0x7;
	v39 =	vor.u32 v4, v38  }
0x13e: {  	[sflag:s13] =	ssyncset.done $0x0;
	vm14 =	vlt.s32 v30, $0x200;
	v42 =	vshll.u32 v30, $0x7;
	v41 =	vor.u32 v5, v40  }
0x13f: {  	[sflag:s13] =	ssyncadd.s32 $0xFFFF0000;
	vm15 =	vlt.s32 v31, $0x200;
	v44 =	vshll.u32 v31, $0x7;
	v43 =	vor.u32 v6, v42  }
0x140: {  	vm8 =	vlt.s32 v33, $0x200;
	v45 =	vshll.u32 v33, $0x7;
	v53 =	vor.u32 v7, v44;
	[tilespmem:v34+s9+$0x0] =	vst.idx.msk vm10, v0  }
0x141: {  	vm9 =	vlt.s32 v36, $0x200;
	v46 =	vshll.u32 v36, $0x7;
	v54 =	vor.u32 v8, v45;
	[tilespmem:v37+s9+$0x0] =	vst.idx.msk vm11, v0  }
0x142: {  	v47 =	vshll.u32 v25, $0x7;
	v55 =	vor.u32 v9, v46;
	vm10 =	vlt.s32 v25, $0x200;
	[tilespmem:v39+s9+$0x0] =	vst.idx.msk vm12, v0  }
0x143: {  	v48 =	vshll.u32 v24, $0x7;
	v56 =	vor.u32 v1, v47;
	vm11 =	vlt.s32 v24, $0x200;
	[tilespmem:v41+s9+$0x0] =	vst.idx.msk vm13, v0  }
0x144: {  	v49 =	vshll.u32 v23, $0x7;
	v57 =	vor.u32 v3, v48;
	vm12 =	vlt.s32 v23, $0x200;
	[tilespmem:v43+s9+$0x0] =	vst.idx.msk vm14, v0  }
0x145: {  	v50 =	vshll.u32 v22, $0x7;
	v58 =	vor.u32 v4, v49;
	vm13 =	vlt.s32 v22, $0x200;
	[tilespmem:v53+s9+$0x0] =	vst.idx.msk vm15, v0  }
0x146: {  	v51 =	vshll.u32 v21, $0x7;
	v59 =	vor.u32 v5, v50;
	vm14 =	vlt.s32 v21, $0x200;
	[tilespmem:v54+s9+$0x0] =	vst.idx.msk vm8, v0  }
0x147: {  	v52 =	vshll.u32 v20, $0x7;
	v60 =	vor.u32 v6, v51;
	vm15 =	vlt.s32 v20, $0x200;
	[tilespmem:v55+s9+$0x0] =	vst.idx.msk vm9, v0  }
0x148: {  	vm6 =	vlt.s32 v19, $0x200;
	v61 =	vor.u32 v7, v52;
	v53 =	vshll.u32 v19, $0x7;
	[tilespmem:v56+s9+$0x0] =	vst.idx.msk vm10, v2  }
0x149: {  	vm7 =	vlt.s32 v18, $0x200;
	v54 =	vshll.u32 v18, $0x7;
	v62 =	vor.u32 v8, v53;
	[tilespmem:v57+s9+$0x0] =	vst.idx.msk vm11, v2  }
0x14a: {  	v63 =	vor.u32 v9, v54;
	[tilespmem:v58+s9+$0x0] =	vst.idx.msk vm12, v2  }
0x14b: {  	[tilespmem:v59+s9+$0x0] =	vst.idx.msk vm13, v2  }
0x14c: {  	[tilespmem:v60+s9+$0x0] =	vst.idx.msk vm14, v2  }
0x14d: {  	[tilespmem:v61+s9+$0x0] =	vst.idx.msk vm15, v2  }
0x14e: {  	s17 =	sadd.s32 $0xFFFFFE80, s7;
	vm8 =	vgt.s32 v26, $0x1FF;
	[tilespmem:v62+s9+$0x0] =	vst.idx.msk vm6, v2  }
0x14f: {  	s31 =	sadd.s32 $0x200, s17;
	v34 =	vadd.s32 v10, v32;
	vm9 =	vgt.s32 v27, $0x1FF;
	[tilespmem:v63+s9+$0x0] =	vst.idx.msk vm7, v2  }
0x150: {  	v37 =	vadd.s32 v11, v35;
	vm10 =	vgt.s32 v28, $0x1FF;
	[hbm4b:s31+s10] =	stream.strided.scatter [tilespmem:s9], [sflag:$0x2], $0x10000, s11, s10, $0x38;
	[tilespmem:$0x1F600] =	vst v63  }
0x151: {  	v39 =	vadd.s32 v12, v38;
	vm11 =	vgt.s32 v29, $0x1FF;
	_ =	swait.ge [sflag:s14], $0xF400  }
0x152: {  	v41 =	vadd.s32 v13, v40;
	vm12 =	vgt.s32 v30, $0x1FF;
	[sflag:s14] =	ssyncset.done $0x0  }
0x153: {  	v43 =	vadd.s32 v14, v42;
	vm13 =	vgt.s32 v31, $0x1FF;
	[sflag:s14] =	ssyncadd.s32 $0xFFFF0C00  }
0x154: {  	v55 =	vadd.s32 v15, v44;
	vm14 =	vgt.s32 v33, $0x1FF;
	[tilespmem:v34+s12+$0x0] =	vst.idx.msk vm8, v0  }
0x155: {  	v56 =	vadd.s32 v16, v45;
	vm15 =	vgt.s32 v36, $0x1FF;
	[tilespmem:v37+s12+$0x0] =	vst.idx.msk vm9, v0  }
0x156: {  	v57 =	vadd.s32 v17, v46;
	vm8 =	vgt.s32 v25, $0x1FF;
	[tilespmem:v39+s12+$0x0] =	vst.idx.msk vm10, v0  }
0x157: {  	v58 =	vadd.s32 v10, v47;
	vm9 =	vgt.s32 v24, $0x1FF;
	[tilespmem:v41+s12+$0x0] =	vst.idx.msk vm11, v0  }
0x158: {  	v59 =	vadd.s32 v11, v48;
	vm10 =	vgt.s32 v23, $0x1FF;
	[tilespmem:v43+s12+$0x0] =	vst.idx.msk vm12, v0  }
0x159: {  	v60 =	vadd.s32 v12, v49;
	vm11 =	vgt.s32 v22, $0x1FF;
	[tilespmem:v55+s12+$0x0] =	vst.idx.msk vm13, v0  }
0x15a: {  	v61 =	vadd.s32 v13, v50;
	vm12 =	vgt.s32 v21, $0x1FF;
	[tilespmem:v56+s12+$0x0] =	vst.idx.msk vm14, v0  }
0x15b: {  	v62 =	vadd.s32 v14, v51;
	vm13 =	vgt.s32 v20, $0x1FF;
	[tilespmem:v57+s12+$0x0] =	vst.idx.msk vm15, v0  }
0x15c: {  	v63 =	vadd.s32 v15, v52;
	vm14 =	vgt.s32 v19, $0x1FF;
	[tilespmem:v58+s12+$0x0] =	vst.idx.msk vm8, v2  }
0x15d: {  	v19 =	vadd.s32 v16, v53;
	vm15 =	vgt.s32 v18, $0x1FF;
	[tilespmem:v59+s12+$0x0] =	vst.idx.msk vm9, v2  }
0x15e: {  	v18 =	vadd.s32 v17, v54;
	[tilespmem:v60+s12+$0x0] =	vst.idx.msk vm10, v2  }
0x15f: {  	[tilespmem:v61+s12+$0x0] =	vst.idx.msk vm11, v2  }
0x160: {  	[tilespmem:v62+s12+$0x0] =	vst.idx.msk vm12, v2  }
0x161: {  	[tilespmem:v63+s12+$0x0] =	vst.idx.msk vm13, v2  }
0x162: {  	[tilespmem:v19+s12+$0x0] =	vst.idx.msk vm14, v2  }
0x163: {  	s16 =	simm.s32 $0xFFFFFF00;
	s18 =	sadd.s32 $0x100200, s17;
	s17 =	simm.s32 $0x100;
	[tilespmem:v18+s12+$0x0] =	vst.idx.msk vm15, v2  }
.LBB2_6:
0x164: {  	[hbm4b:s18+s10] =	stream.strided.scatter [tilespmem:s12], [sflag:$0x3], $0xF400, s11, s10, $0x38;
	[tilespmem:$0x1F600] =	vst v63  }
0x165: {  	p0 =	sne.s32 s16, $0xFFFFFF80;
	s18 =	smov.u32 s16;
	s16 =	sadd.s32 $0x80, s16;
	v18 =	vld [tilespmem:s17+$0x70]  }
0x166: {  	v19 =	vld [tilespmem:s17+$0x60]  }
0x167: {  	v21 =	vld [tilespmem:s17+$0x50]  }
0x168: {  	v23 =	vld [tilespmem:s17+$0x40]  }
0x169: {  	v24 =	vld [tilespmem:s17+$0x30]  }
0x16a: {  	v26 =	vld [tilespmem:s17+$0x20];
	v20 =	vshll.u32 v18, $0x7  }
0x16b: {  	v28 =	vld [tilespmem:s17+$0x10];
	v22 =	vshll.u32 v19, $0x7  }
0x16c: {  	v30 =	vld [tilespmem:s17+$0x0]  }
0x16d: {  	v31 =	vld [tilespmem:s17+$0xFFFFFF80];
	v25 =	vshll.u32 v23, $0x7  }
0x16e: {  	v32 =	vld [tilespmem:s17+$0xFFFFFF90];
	v27 =	vshll.u32 v24, $0x7  }
0x16f: {  	v33 =	vld [tilespmem:s17+$0xFFFFFFA0];
	v29 =	vshll.u32 v26, $0x7  }
0x170: {  	v34 =	vld [tilespmem:s17+$0xFFFFFFB0]  }
0x171: {  	v35 =	vld [tilespmem:s17+$0xFFFFFFC0];
	v36 =	vshll.u32 v30, $0x7  }
0x172: {  	v37 =	vld [tilespmem:s17+$0xFFFFFFD0];
	vm0 =	vlt.s32 v31, $0x200;
	v38 =	vshll.u32 v31, $0x7  }
0x173: {  	v39 =	vld [tilespmem:s17+$0xFFFFFFE0];
	v40 =	vor.u32 v1, v38;
	vm1 =	vlt.s32 v32, $0x200;
	v41 =	vshll.u32 v32, $0x7  }
0x174: {  	v42 =	vld [tilespmem:s17+$0xFFFFFFF0];
	v43 =	vor.u32 v3, v41;
	vm2 =	vlt.s32 v33, $0x200;
	v44 =	vshll.u32 v33, $0x7  }
0x175: {  	_ =	swait.ge [sflag:s13], $0x10000;
	v45 =	vor.u32 v4, v44;
	vm3 =	vlt.s32 v34, $0x200;
	v46 =	vshll.u32 v34, $0x7  }
0x176: {  	[sflag:s13] =	ssyncset.done $0x0;
	v47 =	vor.u32 v5, v46;
	vm4 =	vlt.s32 v35, $0x200;
	v48 =	vshll.u32 v35, $0x7  }
0x177: {  	[sflag:s13] =	ssyncadd.s32 $0xFFFF0000;
	v49 =	vor.u32 v6, v48;
	vm5 =	vlt.s32 v37, $0x200;
	v50 =	vshll.u32 v37, $0x7  }
0x178: {  	[tilespmem:v40+s9+$0x0] =	vst.idx.msk vm0, v0;
	v40 =	vor.u32 v7, v50;
	vm0 =	vlt.s32 v39, $0x200;
	v51 =	vshll.u32 v39, $0x7  }
0x179: {  	[tilespmem:v43+s9+$0x0] =	vst.idx.msk vm1, v0;
	v43 =	vor.u32 v8, v51;
	vm1 =	vlt.s32 v42, $0x200;
	v52 =	vshll.u32 v42, $0x7  }
0x17a: {  	[tilespmem:v45+s9+$0x0] =	vst.idx.msk vm2, v0;
	v45 =	vor.u32 v9, v52;
	vm2 =	vlt.s32 v30, $0x200  }
0x17b: {  	v53 =	vshll.u32 v28, $0x7;
	[tilespmem:v47+s9+$0x0] =	vst.idx.msk vm3, v0;
	v47 =	vor.u32 v1, v36;
	vm3 =	vlt.s32 v28, $0x200  }
0x17c: {  	[tilespmem:v49+s9+$0x0] =	vst.idx.msk vm4, v0;
	v49 =	vor.u32 v3, v53;
	vm4 =	vlt.s32 v26, $0x200  }
0x17d: {  	[tilespmem:v40+s9+$0x0] =	vst.idx.msk vm5, v0;
	v40 =	vor.u32 v4, v29;
	vm5 =	vlt.s32 v24, $0x200  }
0x17e: {  	[tilespmem:v43+s9+$0x0] =	vst.idx.msk vm0, v0;
	v43 =	vor.u32 v5, v27;
	vm0 =	vlt.s32 v23, $0x200  }
0x17f: {  	v54 =	vshll.u32 v21, $0x7;
	[tilespmem:v45+s9+$0x0] =	vst.idx.msk vm1, v0;
	v45 =	vor.u32 v6, v25;
	vm1 =	vlt.s32 v21, $0x200  }
0x180: {  	[tilespmem:v47+s9+$0x0] =	vst.idx.msk vm2, v2;
	v47 =	vor.u32 v7, v54;
	vm2 =	vlt.s32 v19, $0x200  }
0x181: {  	[tilespmem:v49+s9+$0x0] =	vst.idx.msk vm3, v2;
	v49 =	vor.u32 v8, v22;
	vm3 =	vlt.s32 v18, $0x200  }
0x182: {  	[tilespmem:v40+s9+$0x0] =	vst.idx.msk vm4, v2;
	v40 =	vor.u32 v9, v20  }
0x183: {  	[tilespmem:v43+s9+$0x0] =	vst.idx.msk vm5, v2  }
0x184: {  	[tilespmem:v45+s9+$0x0] =	vst.idx.msk vm0, v2  }
0x185: {  	[tilespmem:v47+s9+$0x0] =	vst.idx.msk vm1, v2  }
0x186: {  	s18 =	sadd.s32 s18, s7;
	vm0 =	vgt.s32 v31, $0x1FF;
	[tilespmem:v49+s9+$0x0] =	vst.idx.msk vm2, v2  }
0x187: {  	s19 =	sadd.s32 $0x200, s18;
	v31 =	vadd.s32 v10, v38;
	vm1 =	vgt.s32 v32, $0x1FF;
	[tilespmem:v40+s9+$0x0] =	vst.idx.msk vm3, v2  }
0x188: {  	v32 =	vadd.s32 v11, v41;
	vm2 =	vgt.s32 v33, $0x1FF;
	[hbm4b:s19+s10] =	stream.strided.scatter [tilespmem:s9], [sflag:$0x2], $0x10000, s11, s10, $0x38;
	[tilespmem:$0x1F600] =	vst v63  }
0x189: {  	v33 =	vadd.s32 v12, v44;
	vm3 =	vgt.s32 v34, $0x1FF;
	_ =	swait.ge [sflag:s14], $0xF400  }
0x18a: {  	vm4 =	vgt.s32 v35, $0x1FF;
	v34 =	vadd.s32 v13, v46;
	[sflag:s14] =	ssyncset.done $0x0  }
0x18b: {  	v35 =	vadd.s32 v14, v48;
	vm5 =	vgt.s32 v37, $0x1FF;
	[sflag:s14] =	ssyncadd.s32 $0xFFFF0C00  }
0x18c: {  	[tilespmem:v31+s12+$0x0] =	vst.idx.msk vm0, v0;
	v31 =	vadd.s32 v15, v50;
	vm0 =	vgt.s32 v39, $0x1FF  }
0x18d: {  	[tilespmem:v32+s12+$0x0] =	vst.idx.msk vm1, v0;
	v32 =	vadd.s32 v16, v51;
	vm1 =	vgt.s32 v42, $0x1FF  }
0x18e: {  	[tilespmem:v33+s12+$0x0] =	vst.idx.msk vm2, v0;
	v33 =	vadd.s32 v17, v52;
	vm2 =	vgt.s32 v30, $0x1FF  }
0x18f: {  	v30 =	vadd.s32 v10, v36;
	[tilespmem:v34+s12+$0x0] =	vst.idx.msk vm3, v0;
	vm3 =	vgt.s32 v28, $0x1FF  }
0x190: {  	v28 =	vadd.s32 v11, v53;
	[tilespmem:v35+s12+$0x0] =	vst.idx.msk vm4, v0;
	vm4 =	vgt.s32 v26, $0x1FF  }
0x191: {  	v26 =	vadd.s32 v12, v29;
	[tilespmem:v31+s12+$0x0] =	vst.idx.msk vm5, v0;
	vm5 =	vgt.s32 v24, $0x1FF  }
0x192: {  	v24 =	vadd.s32 v13, v27;
	[tilespmem:v32+s12+$0x0] =	vst.idx.msk vm0, v0;
	vm0 =	vgt.s32 v23, $0x1FF  }
0x193: {  	v23 =	vadd.s32 v14, v25;
	[tilespmem:v33+s12+$0x0] =	vst.idx.msk vm1, v0;
	vm1 =	vgt.s32 v21, $0x1FF  }
0x194: {  	v21 =	vadd.s32 v15, v54;
	[tilespmem:v30+s12+$0x0] =	vst.idx.msk vm2, v2;
	vm2 =	vgt.s32 v19, $0x1FF  }
0x195: {  	v19 =	vadd.s32 v16, v22;
	[tilespmem:v28+s12+$0x0] =	vst.idx.msk vm3, v2;
	vm3 =	vgt.s32 v18, $0x1FF  }
0x196: {  	v18 =	vadd.s32 v17, v20;
	[tilespmem:v26+s12+$0x0] =	vst.idx.msk vm4, v2  }
.Ltmp2:
0x197: {  	[tilespmem:v24+s12+$0x0] =	vst.idx.msk vm5, v2;
	(pc) =	sbr.rel @p0 .LBB2_6-.Ltmp2, $4  }
0x198: {  	[tilespmem:v23+s12+$0x0] =	vst.idx.msk vm0, v2  }
0x199: {  	[tilespmem:v21+s12+$0x0] =	vst.idx.msk vm1, v2  }
0x19a: {  	[tilespmem:v19+s12+$0x0] =	vst.idx.msk vm2, v2  }
0x19b: {  	s18 =	sadd.s32 $0x100200, s18;
	s17 =	sadd.s32 $0x80, s17;
	[tilespmem:v18+s12+$0x0] =	vst.idx.msk vm3, v2  }
0x19c: {  	[hbm4b:s18+s10] =	stream.strided.scatter [tilespmem:s12], [sflag:$0x3], $0xF400, s11, s10, $0x38;
	[tilespmem:$0x1F600] =	vst v63  }
0x19d: {  	s15 =	sadd.s32 $0x1, s15  }
0x19e: {  	_ =	swait.ge [sflag:s13], $0x10000;
	p0 =	sne.s32 s15, s6  }
.Ltmp3:
0x19f: {  	[sflag:s13] =	ssyncset.done $0x0;
	(pc) =	sbr.rel @p0 .LBB2_1-.Ltmp3, $4  }
0x1a0: {  	[sflag:s13] =	ssyncadd.s32 $0xFFFF0000  }
0x1a1: {  	_ =	swait.ge [sflag:s14], $0xF400  }
0x1a2: {  	[sflag:s14] =	ssyncset.done $0x0  }
0x1a3: {  	[sflag:s14] =	ssyncadd.s32 $0xFFFF0C00  }
0x1a4: {  	_ =	sfence.sel $0x180000  }
0x1a5: {  	[bflag:$0x0] =	sbarrier.arrive $0xFFFF  }
0x1a6: {  	p0 =	sne.s32 s1, $0x0;
	_ =	strace $0x90000047  }
0x1a7: {  	s0 =	sadd.s32 @!p0 $0x100000, s0;
	[bflag:$0x2] =	sbarrier.arrive $0xFFFF  }
0x1a8: {  	[sflag:s0] =	ssyncadd.tile.s32 @!p0 $0x1;
	_ =	shalt  }
.Lfunc_end2:
_tile_overlayer_lowered:
.L_overlay_start_2:
0x1a9: {  	(tag) =	ssettag $0x2  }
0x1aa: {  	s0 =	rddreg [dreg:$0x0];
	s2 =	stileid.u32  }
0x1ab: {  	s1 =	rddreg [dreg:$0x1];
	p0 =	sne.s32 s2, $0x0  }
0x1ac: {  	s3 =	rddreg [dreg:$0x2];
	[bflag:$0x3] =	sbarrier.arrive $0xFFFF;
	s2 =	simm.s32 @!p0 $0x1C04  }
0x1ad: {  	[timem:s3], [sflag:s2] =	dma.local @!p0 [hbm:s0], s1  }
0x1ae: {  	s0 =	simm.s32 @!p0 $0x4  }
0x1af: {  	_ =	swait.ge @!p0 [sflag:s0], s1  }
0x1b0: {  	s1 =	ssub.s32 @!p0 $0x0, s1;
	[sflag:s0] =	ssyncset.done @!p0 $0x0  }
0x1b1: {  	[sflag:s0] =	ssyncadd.s32 @!p0 s1  }
0x1b2: {  	[bflag:$0x3] =	sbarrier.arrive $0xFFFF  }
0x1b3: {  	_ =	shalt  }

</sc_bundles>
